<compile_context>
chip_gen: v7x
topology: tpu7x:2x2x1
jax: 0.10.2.dev20260603
libtpu: 0.0.44.dev20260713+nightly
codegen_flags: <defaults>
</compile_context>

<pallas_src>
import jax
import jax.numpy as jnp
from jax import lax
from jax.experimental import pallas as pl
from jax.experimental.pallas import tpu as pltpu
from jax.experimental.pallas import tpu_sc as plsc

D_MODEL = 64
MAX_REL = 128
SEQ_LEN = 2048
N_TABLE = 2 * MAX_REL + 1

NUM_CORES = 2
NUM_SUBCORES = 16
NW = NUM_CORES * NUM_SUBCORES
ROWS_PER_W = SEQ_LEN // NW
LPAD = SEQ_LEN - MAX_REL - 1
PTX_COLS = 4112
PT8_COLS = 4104

SUB = 8
LANE = 128
KD = D_MODEL // SUB
TJ = SEQ_LEN // LANE
NQ = 4
TQ = TJ // NQ
COL_Q = SEQ_LEN // NQ
BLK_COLS = LANE + ROWS_PER_W - SUB
NP = 8


def _sc_body(pt8_hbm, out_hbm, win_ref, sem_g, sem_w):
    c = lax.axis_index("c")
    s = lax.axis_index("s")
    wid = c * NUM_SUBCORES + s
    row0 = wid * ROWS_PER_W
    a = SEQ_LEN - ROWS_PER_W - row0

    n_stages = NQ * NP

    def issue_loads(s, b):
        h = lax.div(s, NP)
        p = lax.rem(s, NP)
        for t in range(TQ):
            pltpu.async_copy(
                pt8_hbm.at[p, :, :, pl.ds(a + h * COL_Q + t * LANE, BLK_COLS)],
                win_ref.at[b, :, t],
                sem_g,
            )

    def wait_loads():
        for t in range(TQ):
            pltpu.make_async_copy(
                pt8_hbm.at[0, :, :, pl.ds(0, BLK_COLS)],
                win_ref.at[0, :, t],
                sem_g,
            ).wait()

    def fire_writes(s, b):
        h = lax.div(s, NP)
        p = lax.rem(s, NP)

        def wq(q, carry):
            r = (NP - 1) - p + NP * q
            o = pl.multiple_of((ROWS_PER_W - NP) - NP * q, NP)
            pltpu.async_copy(
                win_ref.at[b, :, :, :, pl.ds(o, LANE)],
                out_hbm.at[row0 + r, :, pl.ds(h * TQ, TQ)],
                sem_w,
            )
            return carry

        lax.fori_loop(0, ROWS_PER_W // NP, wq, 0)

    def drain_writes():
        def dq(q, carry):
            pltpu.make_async_copy(
                win_ref.at[0, :, :, :, pl.ds(0, LANE)],
                out_hbm.at[0, :, pl.ds(0, TQ)],
                sem_w,
            ).wait()
            return carry

        lax.fori_loop(0, ROWS_PER_W // NP, dq, 0)

    issue_loads(0, 0)

    def stage(s, carry):
        b = lax.rem(s, 2)
        @pl.when(s >= 1)
        def _():
            drain_writes()

        @pl.when(s <= n_stages - 2)
        def _():
            issue_loads(s + 1, 1 - b)

        wait_loads()
        fire_writes(s, b)
        return carry

    lax.fori_loop(0, n_stages, stage, 0)
    drain_writes()


def kernel(seq_len, table):
    del seq_len
    tt = jnp.transpose(table, (1, 0))
    ptx = jnp.concatenate(
        [
            jnp.broadcast_to(tt[:, :1], (D_MODEL, LPAD)),
            tt,
            jnp.broadcast_to(
                tt[:, N_TABLE - 1 :], (D_MODEL, PTX_COLS - LPAD - N_TABLE)
            ),
        ],
        axis=1,
    )
    pt8 = jnp.stack(
        [lax.slice(ptx, (0, p), (D_MODEL, p + PT8_COLS)) for p in range(NP)]
    ).reshape(NP, KD, SUB, PT8_COLS)

    mesh = plsc.VectorSubcoreMesh(
        core_axis_name="c", subcore_axis_name="s", num_cores=NUM_CORES
    )
    run = pl.kernel(
        _sc_body,
        out_type=jax.ShapeDtypeStruct((SEQ_LEN, KD, TJ, SUB, LANE), jnp.float32),
        mesh=mesh,
        scratch_types=[
            pltpu.VMEM((2, KD, TQ, SUB, BLK_COLS), jnp.float32),
            pltpu.SemaphoreType.DMA,
            pltpu.SemaphoreType.DMA,
        ],
        compiler_params=pltpu.CompilerParams(use_tc_tiling_on_sc=False),
    )
    phys = run(pt8)
    out = jnp.transpose(phys, (0, 2, 4, 1, 3)).reshape(SEQ_LEN, SEQ_LEN, D_MODEL)
    return out

# --- scband reference (transcript-rebuilt; emitter-appended) ---
"""Pipeline reference for scband-relative-positional-encoding-88759794139596 (READ-ONLY COPY).

The authoritative reference and input builder live on the scoring server;
editing this copy changes nothing except your own understanding.
"""

import jax, jax.numpy as jnp
import numpy as np

D_MODEL = 64
MAX_REL = 128
SEQ_LEN = 2048

def setup_inputs(seed: int = 0) -> dict:
    key = jax.random.key(seed)
    table = jax.random.normal(key, (2 * MAX_REL + 1, D_MODEL), dtype=jnp.float32)
    return {"seq_len": 2048, "table": table}

def reference(seq_len, table):
    range_vec = jnp.arange(SEQ_LEN) + (seq_len - SEQ_LEN)
    range_mat = jnp.broadcast_to(range_vec[None, :], (SEQ_LEN, SEQ_LEN))
    distance_mat = range_mat - range_mat.T
    distance_mat_clipped = jnp.clip(distance_mat, -MAX_REL, MAX_REL)
    final_mat = distance_mat_clipped + MAX_REL
    return jnp.take(table, final_mat, axis=0)

if __name__ == "__main__":
    import jax
    _d = setup_inputs()
    print(jax.jit(kernel)(*tuple(_d.values())))

</pallas_src>

<mosaic_0001>
#map = affine_map<(d0, d1) -> (0, 0, 0, 0)>
#map1 = affine_map<(d0, d1) -> (0, 0, 0, 0, 0)>
module attributes {stable_mosaic.version = 14 : i64} {
  func.func @_sc_body(%arg0: i32, %arg1: i32, %arg2: memref<8x8x8x4104xf32, #tpu.memory_space<hbm>>, %arg3: memref<2048x8x16x8x128xf32, #tpu.memory_space<hbm>>, %arg4: memref<2x8x4x8x184xf32, #tpu.memory_space<vmem>>, %arg5: memref<!tpu.dma_semaphore, #tpu.memory_space<semaphore_mem>>, %arg6: memref<!tpu.dma_semaphore, #tpu.memory_space<semaphore_mem>>) attributes {dimension_semantics = [#tpu.dimension_semantics<core_parallel>, #tpu.dimension_semantics<subcore_parallel>], iteration_bounds = array<i64: 2, 16>, scalar_prefetch = 0 : i64, scratch_operands = 3 : i64, tpu.core_type = #tpu.core_type<sc_vector_subcore>, window_params = [{transform_indices = #map}, {transform_indices = #map1}]} {
    %mul3A = arith.constant 16 : i32
    %mul3A_0 = arith.muli %arg0, %mul3A : i32
    %add3A = arith.addi %mul3A_0, %arg1 : i32
    %mul3A_1 = arith.constant 64 : i32
    %mul3A_2 = arith.muli %add3A, %mul3A_1 : i32
    %sub3A = arith.constant 1984 : i32
    %sub3A_3 = arith.subi %sub3A, %mul3A_2 : i32
    %div3A = arith.constant 0 : i32
    %div3A_4 = arith.constant 8 : i32
    %div3A_5 = arith.divsi %div3A, %div3A_4 : i32
    %rem3A = arith.constant 0 : i32
    %rem3A_6 = arith.constant 8 : i32
    %rem3A_7 = arith.remsi %rem3A, %rem3A_6 : i32
    %mul3A_8 = arith.constant 512 : i32
    %mul3A_9 = arith.muli %div3A_5, %mul3A_8 : i32
    %add3A_10 = arith.addi %sub3A_3, %mul3A_9 : i32
    %add3A_11 = arith.constant 0 : i32
    %add3A_12 = arith.addi %add3A_10, %add3A_11 : i32
    %dma_start3A = arith.constant 0 : i32
    %dma_start3A_13 = arith.constant 0 : i32
    %dma_start3A_14 = arith.constant 0 : i32
    %dma_start3A_15 = arith.constant 0 : i32
    %dma_start3A_16 = arith.constant 0 : i32
    %dma_start3A_17 = tpu.memref_slice %arg4[%dma_start3A, %dma_start3A_14, %dma_start3A_13, %dma_start3A_15, %dma_start3A_16] : memref<2x8x4x8x184xf32, #tpu.memory_space<vmem>> -> memref<1x8x1x8x184xf32, #tpu.memory_space<vmem>>
    %dma_start3A_18 = tpu.memref_squeeze %dma_start3A_17 : memref<1x8x1x8x184xf32, #tpu.memory_space<vmem>> -> memref<8x8x184xf32, #tpu.memory_space<vmem>>
    %dma_start3A_19 = arith.constant 0 : i32
    %dma_start3A_20 = arith.constant 0 : i32
    %dma_start3A_21 = tpu.memref_slice %arg2[%rem3A_7, %dma_start3A_19, %dma_start3A_20, %add3A_12] : memref<8x8x8x4104xf32, #tpu.memory_space<hbm>> -> memref<1x8x8x184xf32, #tpu.memory_space<hbm>>
    %dma_start3A_22 = tpu.memref_squeeze %dma_start3A_21 : memref<1x8x8x184xf32, #tpu.memory_space<hbm>> -> memref<8x8x184xf32, #tpu.memory_space<hbm>>
    %dma_start3A_23 = arith.constant 0 : i32
    %dma_start3A_24 = arith.constant 0 : i32
    %dma_start3A_25 = arith.constant 0 : i32
    %dma_start3A_26 = tpu.memref_slice %arg4[%dma_start3A, %dma_start3A_23, %dma_start3A_13, %dma_start3A_24, %dma_start3A_25] : memref<2x8x4x8x184xf32, #tpu.memory_space<vmem>> -> memref<1x8x1x8x184xf32, #tpu.memory_space<vmem>>
    %dma_start3A_27 = tpu.memref_squeeze %dma_start3A_26 : memref<1x8x1x8x184xf32, #tpu.memory_space<vmem>> -> memref<8x8x184xf32, #tpu.memory_space<vmem>>
    %dma_start3A_28 = arith.constant 0 : i32
    %dma_start3A_29 = arith.constant 0 : i32
    %dma_start3A_30 = tpu.memref_slice %arg2[%rem3A_7, %dma_start3A_28, %dma_start3A_29, %add3A_12] : memref<8x8x8x4104xf32, #tpu.memory_space<hbm>> -> memref<1x8x8x184xf32, #tpu.memory_space<hbm>>
    %dma_start3A_31 = tpu.memref_squeeze %dma_start3A_30 : memref<1x8x8x184xf32, #tpu.memory_space<hbm>> -> memref<8x8x184xf32, #tpu.memory_space<hbm>>
    tpu.enqueue_dma source(%dma_start3A_31 : memref<8x8x184xf32, #tpu.memory_space<hbm>>) target(%dma_start3A_27 : memref<8x8x184xf32, #tpu.memory_space<vmem>>) target_semaphore(%arg5 : memref<!tpu.dma_semaphore, #tpu.memory_space<semaphore_mem>>)
    %mul3A_32 = arith.constant 512 : i32
    %mul3A_33 = arith.muli %div3A_5, %mul3A_32 : i32
    %add3A_34 = arith.addi %sub3A_3, %mul3A_33 : i32
    %add3A_35 = arith.constant 128 : i32
    %add3A_36 = arith.addi %add3A_34, %add3A_35 : i32
    %dma_start3A_37 = arith.constant 0 : i32
    %dma_start3A_38 = arith.constant 1 : i32
    %dma_start3A_39 = arith.constant 0 : i32
    %dma_start3A_40 = arith.constant 0 : i32
    %dma_start3A_41 = arith.constant 0 : i32
    %dma_start3A_42 = tpu.memref_slice %arg4[%dma_start3A_37, %dma_start3A_39, %dma_start3A_38, %dma_start3A_40, %dma_start3A_41] : memref<2x8x4x8x184xf32, #tpu.memory_space<vmem>> -> memref<1x8x1x8x184xf32, #tpu.memory_space<vmem>>
    %dma_start3A_43 = tpu.memref_squeeze %dma_start3A_42 : memref<1x8x1x8x184xf32, #tpu.memory_space<vmem>> -> memref<8x8x184xf32, #tpu.memory_space<vmem>>
    %dma_start3A_44 = arith.constant 0 : i32
    %dma_start3A_45 = arith.constant 0 : i32
    %dma_start3A_46 = tpu.memref_slice %arg2[%rem3A_7, %dma_start3A_44, %dma_start3A_45, %add3A_36] : memref<8x8x8x4104xf32, #tpu.memory_space<hbm>> -> memref<1x8x8x184xf32, #tpu.memory_space<hbm>>
    %dma_start3A_47 = tpu.memref_squeeze %dma_start3A_46 : memref<1x8x8x184xf32, #tpu.memory_space<hbm>> -> memref<8x8x184xf32, #tpu.memory_space<hbm>>
    %dma_start3A_48 = arith.constant 0 : i32
    %dma_start3A_49 = arith.constant 0 : i32
    %dma_start3A_50 = arith.constant 0 : i32
    %dma_start3A_51 = tpu.memref_slice %arg4[%dma_start3A_37, %dma_start3A_48, %dma_start3A_38, %dma_start3A_49, %dma_start3A_50] : memref<2x8x4x8x184xf32, #tpu.memory_space<vmem>> -> memref<1x8x1x8x184xf32, #tpu.memory_space<vmem>>
    %dma_start3A_52 = tpu.memref_squeeze %dma_start3A_51 : memref<1x8x1x8x184xf32, #tpu.memory_space<vmem>> -> memref<8x8x184xf32, #tpu.memory_space<vmem>>
    %dma_start3A_53 = arith.constant 0 : i32
    %dma_start3A_54 = arith.constant 0 : i32
    %dma_start3A_55 = tpu.memref_slice %arg2[%rem3A_7, %dma_start3A_53, %dma_start3A_54, %add3A_36] : memref<8x8x8x4104xf32, #tpu.memory_space<hbm>> -> memref<1x8x8x184xf32, #tpu.memory_space<hbm>>
    %dma_start3A_56 = tpu.memref_squeeze %dma_start3A_55 : memref<1x8x8x184xf32, #tpu.memory_space<hbm>> -> memref<8x8x184xf32, #tpu.memory_space<hbm>>
    tpu.enqueue_dma source(%dma_start3A_56 : memref<8x8x184xf32, #tpu.memory_space<hbm>>) target(%dma_start3A_52 : memref<8x8x184xf32, #tpu.memory_space<vmem>>) target_semaphore(%arg5 : memref<!tpu.dma_semaphore, #tpu.memory_space<semaphore_mem>>)
    %mul3A_57 = arith.constant 512 : i32
    %mul3A_58 = arith.muli %div3A_5, %mul3A_57 : i32
    %add3A_59 = arith.addi %sub3A_3, %mul3A_58 : i32
    %add3A_60 = arith.constant 256 : i32
    %add3A_61 = arith.addi %add3A_59, %add3A_60 : i32
    %dma_start3A_62 = arith.constant 0 : i32
    %dma_start3A_63 = arith.constant 2 : i32
    %dma_start3A_64 = arith.constant 0 : i32
    %dma_start3A_65 = arith.constant 0 : i32
    %dma_start3A_66 = arith.constant 0 : i32
    %dma_start3A_67 = tpu.memref_slice %arg4[%dma_start3A_62, %dma_start3A_64, %dma_start3A_63, %dma_start3A_65, %dma_start3A_66] : memref<2x8x4x8x184xf32, #tpu.memory_space<vmem>> -> memref<1x8x1x8x184xf32, #tpu.memory_space<vmem>>
    %dma_start3A_68 = tpu.memref_squeeze %dma_start3A_67 : memref<1x8x1x8x184xf32, #tpu.memory_space<vmem>> -> memref<8x8x184xf32, #tpu.memory_space<vmem>>
    %dma_start3A_69 = arith.constant 0 : i32
    %dma_start3A_70 = arith.constant 0 : i32
    %dma_start3A_71 = tpu.memref_slice %arg2[%rem3A_7, %dma_start3A_69, %dma_start3A_70, %add3A_61] : memref<8x8x8x4104xf32, #tpu.memory_space<hbm>> -> memref<1x8x8x184xf32, #tpu.memory_space<hbm>>
    %dma_start3A_72 = tpu.memref_squeeze %dma_start3A_71 : memref<1x8x8x184xf32, #tpu.memory_space<hbm>> -> memref<8x8x184xf32, #tpu.memory_space<hbm>>
    %dma_start3A_73 = arith.constant 0 : i32
    %dma_start3A_74 = arith.constant 0 : i32
    %dma_start3A_75 = arith.constant 0 : i32
    %dma_start3A_76 = tpu.memref_slice %arg4[%dma_start3A_62, %dma_start3A_73, %dma_start3A_63, %dma_start3A_74, %dma_start3A_75] : memref<2x8x4x8x184xf32, #tpu.memory_space<vmem>> -> memref<1x8x1x8x184xf32, #tpu.memory_space<vmem>>
    %dma_start3A_77 = tpu.memref_squeeze %dma_start3A_76 : memref<1x8x1x8x184xf32, #tpu.memory_space<vmem>> -> memref<8x8x184xf32, #tpu.memory_space<vmem>>
    %dma_start3A_78 = arith.constant 0 : i32
    %dma_start3A_79 = arith.constant 0 : i32
    %dma_start3A_80 = tpu.memref_slice %arg2[%rem3A_7, %dma_start3A_78, %dma_start3A_79, %add3A_61] : memref<8x8x8x4104xf32, #tpu.memory_space<hbm>> -> memref<1x8x8x184xf32, #tpu.memory_space<hbm>>
    %dma_start3A_81 = tpu.memref_squeeze %dma_start3A_80 : memref<1x8x8x184xf32, #tpu.memory_space<hbm>> -> memref<8x8x184xf32, #tpu.memory_space<hbm>>
    tpu.enqueue_dma source(%dma_start3A_81 : memref<8x8x184xf32, #tpu.memory_space<hbm>>) target(%dma_start3A_77 : memref<8x8x184xf32, #tpu.memory_space<vmem>>) target_semaphore(%arg5 : memref<!tpu.dma_semaphore, #tpu.memory_space<semaphore_mem>>)
    %mul3A_82 = arith.constant 512 : i32
    %mul3A_83 = arith.muli %div3A_5, %mul3A_82 : i32
    %add3A_84 = arith.addi %sub3A_3, %mul3A_83 : i32
    %add3A_85 = arith.constant 384 : i32
    %add3A_86 = arith.addi %add3A_84, %add3A_85 : i32
    %dma_start3A_87 = arith.constant 0 : i32
    %dma_start3A_88 = arith.constant 3 : i32
    %dma_start3A_89 = arith.constant 0 : i32
    %dma_start3A_90 = arith.constant 0 : i32
    %dma_start3A_91 = arith.constant 0 : i32
    %dma_start3A_92 = tpu.memref_slice %arg4[%dma_start3A_87, %dma_start3A_89, %dma_start3A_88, %dma_start3A_90, %dma_start3A_91] : memref<2x8x4x8x184xf32, #tpu.memory_space<vmem>> -> memref<1x8x1x8x184xf32, #tpu.memory_space<vmem>>
    %dma_start3A_93 = tpu.memref_squeeze %dma_start3A_92 : memref<1x8x1x8x184xf32, #tpu.memory_space<vmem>> -> memref<8x8x184xf32, #tpu.memory_space<vmem>>
    %dma_start3A_94 = arith.constant 0 : i32
    %dma_start3A_95 = arith.constant 0 : i32
    %dma_start3A_96 = tpu.memref_slice %arg2[%rem3A_7, %dma_start3A_94, %dma_start3A_95, %add3A_86] : memref<8x8x8x4104xf32, #tpu.memory_space<hbm>> -> memref<1x8x8x184xf32, #tpu.memory_space<hbm>>
    %dma_start3A_97 = tpu.memref_squeeze %dma_start3A_96 : memref<1x8x8x184xf32, #tpu.memory_space<hbm>> -> memref<8x8x184xf32, #tpu.memory_space<hbm>>
    %dma_start3A_98 = arith.constant 0 : i32
    %dma_start3A_99 = arith.constant 0 : i32
    %dma_start3A_100 = arith.constant 0 : i32
    %dma_start3A_101 = tpu.memref_slice %arg4[%dma_start3A_87, %dma_start3A_98, %dma_start3A_88, %dma_start3A_99, %dma_start3A_100] : memref<2x8x4x8x184xf32, #tpu.memory_space<vmem>> -> memref<1x8x1x8x184xf32, #tpu.memory_space<vmem>>
    %dma_start3A_102 = tpu.memref_squeeze %dma_start3A_101 : memref<1x8x1x8x184xf32, #tpu.memory_space<vmem>> -> memref<8x8x184xf32, #tpu.memory_space<vmem>>
    %dma_start3A_103 = arith.constant 0 : i32
    %dma_start3A_104 = arith.constant 0 : i32
    %dma_start3A_105 = tpu.memref_slice %arg2[%rem3A_7, %dma_start3A_103, %dma_start3A_104, %add3A_86] : memref<8x8x8x4104xf32, #tpu.memory_space<hbm>> -> memref<1x8x8x184xf32, #tpu.memory_space<hbm>>
    %dma_start3A_106 = tpu.memref_squeeze %dma_start3A_105 : memref<1x8x8x184xf32, #tpu.memory_space<hbm>> -> memref<8x8x184xf32, #tpu.memory_space<hbm>>
    tpu.enqueue_dma source(%dma_start3A_106 : memref<8x8x184xf32, #tpu.memory_space<hbm>>) target(%dma_start3A_102 : memref<8x8x184xf32, #tpu.memory_space<vmem>>) target_semaphore(%arg5 : memref<!tpu.dma_semaphore, #tpu.memory_space<semaphore_mem>>)
    %scan3A = arith.constant 0 : i32
    %scan3A_107 = arith.constant 0 : i32
    %scan3A_108 = arith.constant 32 : i32
    %scan3A_109 = arith.addi %scan3A_107, %scan3A_108 : i32
    %scan3A_110 = arith.constant 1 : i32
    scf.for %scan3A_118 = %scan3A_107 to %scan3A_109 step %scan3A_110  : i32 {
      %rem3A_119 = arith.constant 2 : i32
      %rem3A_120 = arith.remsi %scan3A_118, %rem3A_119 : i32
      %ge3A = arith.constant 1 : i32
      %ge3A_121 = arith.cmpi sge, %scan3A_118, %ge3A : i32
      %convert_element_type3A = arith.extui %ge3A_121 : i1 to i32
      %cond3A = arith.constant 0 : i32
      %cond3A_122 = arith.cmpi ne, %convert_element_type3A, %cond3A : i32
      scf.if %cond3A_122 {
        %scan3A_228 = arith.constant 0 : i32
        %scan3A_229 = arith.constant 0 : i32
        %scan3A_230 = arith.constant 8 : i32
        %scan3A_231 = arith.addi %scan3A_229, %scan3A_230 : i32
        %scan3A_232 = arith.constant 1 : i32
        scf.for %scan3A_234 = %scan3A_229 to %scan3A_231 step %scan3A_232  : i32 {
          %dma_wait3A_235 = arith.constant 0 : i32
          %dma_wait3A_236 = arith.constant 0 : i32
          %dma_wait3A_237 = arith.constant 0 : i32
          %dma_wait3A_238 = arith.constant 0 : i32
          %dma_wait3A_239 = arith.constant 0 : i32
          %dma_wait3A_240 = arith.constant 0 : i32
          %dma_wait3A_241 = tpu.memref_slice %arg4[%dma_wait3A_235, %dma_wait3A_237, %dma_wait3A_238, %dma_wait3A_239, %dma_wait3A_240] : memref<2x8x4x8x184xf32, #tpu.memory_space<vmem>> -> memref<1x8x4x8x128xf32, #tpu.memory_space<vmem>>
          %dma_wait3A_242 = tpu.memref_squeeze %dma_wait3A_241 : memref<1x8x4x8x128xf32, #tpu.memory_space<vmem>> -> memref<8x4x8x128xf32, #tpu.memory_space<vmem>>
          %dma_wait3A_243 = arith.constant 0 : i32
          %dma_wait3A_244 = arith.constant 0 : i32
          %dma_wait3A_245 = arith.constant 0 : i32
          %dma_wait3A_246 = arith.constant 0 : i32
          %dma_wait3A_247 = tpu.memref_slice %arg3[%dma_wait3A_236, %dma_wait3A_243, %dma_wait3A_244, %dma_wait3A_245, %dma_wait3A_246] : memref<2048x8x16x8x128xf32, #tpu.memory_space<hbm>> -> memref<1x8x4x8x128xf32, #tpu.memory_space<hbm>>
          %dma_wait3A_248 = tpu.memref_squeeze %dma_wait3A_247 : memref<1x8x4x8x128xf32, #tpu.memory_space<hbm>> -> memref<8x4x8x128xf32, #tpu.memory_space<hbm>>
          %dma_wait3A_249 = arith.constant 0 : i32
          %dma_wait3A_250 = arith.constant 0 : i32
          %dma_wait3A_251 = arith.constant 0 : i32
          %dma_wait3A_252 = arith.constant 0 : i32
          %dma_wait3A_253 = tpu.memref_slice %arg3[%dma_wait3A_236, %dma_wait3A_249, %dma_wait3A_250, %dma_wait3A_251, %dma_wait3A_252] : memref<2048x8x16x8x128xf32, #tpu.memory_space<hbm>> -> memref<1x8x4x8x128xf32, #tpu.memory_space<hbm>>
          %dma_wait3A_254 = tpu.memref_squeeze %dma_wait3A_253 : memref<1x8x4x8x128xf32, #tpu.memory_space<hbm>> -> memref<8x4x8x128xf32, #tpu.memory_space<hbm>>
          %dma_wait3A_255 = arith.constant 0 : i32
          %dma_wait3A_256 = arith.constant 0 : i32
          %dma_wait3A_257 = arith.constant 0 : i32
          %dma_wait3A_258 = arith.constant 0 : i32
          %dma_wait3A_259 = tpu.memref_slice %arg4[%dma_wait3A_235, %dma_wait3A_255, %dma_wait3A_256, %dma_wait3A_257, %dma_wait3A_258] : memref<2x8x4x8x184xf32, #tpu.memory_space<vmem>> -> memref<1x8x4x8x128xf32, #tpu.memory_space<vmem>>
          %dma_wait3A_260 = tpu.memref_squeeze %dma_wait3A_259 : memref<1x8x4x8x128xf32, #tpu.memory_space<vmem>> -> memref<8x4x8x128xf32, #tpu.memory_space<vmem>>
          tpu.wait_dma2 semaphore(%arg6 : memref<!tpu.dma_semaphore, #tpu.memory_space<semaphore_mem>>) src(%dma_wait3A_260 : memref<8x4x8x128xf32, #tpu.memory_space<vmem>>) dst(%dma_wait3A_254 : memref<8x4x8x128xf32, #tpu.memory_space<hbm>>)
        }
        %scan3A_233 = arith.constant 8 : i32
      } else {
      }
      %le3A = arith.constant 30 : i32
      %le3A_123 = arith.cmpi sle, %scan3A_118, %le3A : i32
      %convert_element_type3A_124 = arith.extui %le3A_123 : i1 to i32
      %cond3A_125 = arith.constant 0 : i32
      %cond3A_126 = arith.cmpi ne, %convert_element_type3A_124, %cond3A_125 : i32
      scf.if %cond3A_126 {
        %add3A_228 = arith.constant 1 : i32
        %add3A_229 = arith.addi %scan3A_118, %add3A_228 : i32
        %sub3A_230 = arith.constant 1 : i32
        %sub3A_231 = arith.subi %sub3A_230, %rem3A_120 : i32
        %div3A_232 = arith.constant 8 : i32
        %div3A_233 = arith.divsi %add3A_229, %div3A_232 : i32
        %rem3A_234 = arith.constant 8 : i32
        %rem3A_235 = arith.remsi %add3A_229, %rem3A_234 : i32
        %mul3A_236 = arith.constant 512 : i32
        %mul3A_237 = arith.muli %div3A_233, %mul3A_236 : i32
        %add3A_238 = arith.addi %sub3A_3, %mul3A_237 : i32
        %add3A_239 = arith.constant 0 : i32
        %add3A_240 = arith.addi %add3A_238, %add3A_239 : i32
        %dma_start3A_241 = arith.constant 0 : i32
        %dma_start3A_242 = arith.constant 0 : i32
        %dma_start3A_243 = arith.constant 0 : i32
        %dma_start3A_244 = arith.constant 0 : i32
        %dma_start3A_245 = tpu.memref_slice %arg4[%sub3A_231, %dma_start3A_242, %dma_start3A_241, %dma_start3A_243, %dma_start3A_244] : memref<2x8x4x8x184xf32, #tpu.memory_space<vmem>> -> memref<1x8x1x8x184xf32, #tpu.memory_space<vmem>>
        %dma_start3A_246 = tpu.memref_squeeze %dma_start3A_245 : memref<1x8x1x8x184xf32, #tpu.memory_space<vmem>> -> memref<8x8x184xf32, #tpu.memory_space<vmem>>
        %dma_start3A_247 = arith.constant 0 : i32
        %dma_start3A_248 = arith.constant 0 : i32
        %dma_start3A_249 = tpu.memref_slice %arg2[%rem3A_235, %dma_start3A_247, %dma_start3A_248, %add3A_240] : memref<8x8x8x4104xf32, #tpu.memory_space<hbm>> -> memref<1x8x8x184xf32, #tpu.memory_space<hbm>>
        %dma_start3A_250 = tpu.memref_squeeze %dma_start3A_249 : memref<1x8x8x184xf32, #tpu.memory_space<hbm>> -> memref<8x8x184xf32, #tpu.memory_space<hbm>>
        %dma_start3A_251 = arith.constant 0 : i32
        %dma_start3A_252 = arith.constant 0 : i32
        %dma_start3A_253 = arith.constant 0 : i32
        %dma_start3A_254 = tpu.memref_slice %arg4[%sub3A_231, %dma_start3A_251, %dma_start3A_241, %dma_start3A_252, %dma_start3A_253] : memref<2x8x4x8x184xf32, #tpu.memory_space<vmem>> -> memref<1x8x1x8x184xf32, #tpu.memory_space<vmem>>
        %dma_start3A_255 = tpu.memref_squeeze %dma_start3A_254 : memref<1x8x1x8x184xf32, #tpu.memory_space<vmem>> -> memref<8x8x184xf32, #tpu.memory_space<vmem>>
        %dma_start3A_256 = arith.constant 0 : i32
        %dma_start3A_257 = arith.constant 0 : i32
        %dma_start3A_258 = tpu.memref_slice %arg2[%rem3A_235, %dma_start3A_256, %dma_start3A_257, %add3A_240] : memref<8x8x8x4104xf32, #tpu.memory_space<hbm>> -> memref<1x8x8x184xf32, #tpu.memory_space<hbm>>
        %dma_start3A_259 = tpu.memref_squeeze %dma_start3A_258 : memref<1x8x8x184xf32, #tpu.memory_space<hbm>> -> memref<8x8x184xf32, #tpu.memory_space<hbm>>
        tpu.enqueue_dma source(%dma_start3A_259 : memref<8x8x184xf32, #tpu.memory_space<hbm>>) target(%dma_start3A_255 : memref<8x8x184xf32, #tpu.memory_space<vmem>>) target_semaphore(%arg5 : memref<!tpu.dma_semaphore, #tpu.memory_space<semaphore_mem>>)
        %mul3A_260 = arith.constant 512 : i32
        %mul3A_261 = arith.muli %div3A_233, %mul3A_260 : i32
        %add3A_262 = arith.addi %sub3A_3, %mul3A_261 : i32
        %add3A_263 = arith.constant 128 : i32
        %add3A_264 = arith.addi %add3A_262, %add3A_263 : i32
        %dma_start3A_265 = arith.constant 1 : i32
        %dma_start3A_266 = arith.constant 0 : i32
        %dma_start3A_267 = arith.constant 0 : i32
        %dma_start3A_268 = arith.constant 0 : i32
        %dma_start3A_269 = tpu.memref_slice %arg4[%sub3A_231, %dma_start3A_266, %dma_start3A_265, %dma_start3A_267, %dma_start3A_268] : memref<2x8x4x8x184xf32, #tpu.memory_space<vmem>> -> memref<1x8x1x8x184xf32, #tpu.memory_space<vmem>>
        %dma_start3A_270 = tpu.memref_squeeze %dma_start3A_269 : memref<1x8x1x8x184xf32, #tpu.memory_space<vmem>> -> memref<8x8x184xf32, #tpu.memory_space<vmem>>
        %dma_start3A_271 = arith.constant 0 : i32
        %dma_start3A_272 = arith.constant 0 : i32
        %dma_start3A_273 = tpu.memref_slice %arg2[%rem3A_235, %dma_start3A_271, %dma_start3A_272, %add3A_264] : memref<8x8x8x4104xf32, #tpu.memory_space<hbm>> -> memref<1x8x8x184xf32, #tpu.memory_space<hbm>>
        %dma_start3A_274 = tpu.memref_squeeze %dma_start3A_273 : memref<1x8x8x184xf32, #tpu.memory_space<hbm>> -> memref<8x8x184xf32, #tpu.memory_space<hbm>>
        %dma_start3A_275 = arith.constant 0 : i32
        %dma_start3A_276 = arith.constant 0 : i32
        %dma_start3A_277 = arith.constant 0 : i32
        %dma_start3A_278 = tpu.memref_slice %arg4[%sub3A_231, %dma_start3A_275, %dma_start3A_265, %dma_start3A_276, %dma_start3A_277] : memref<2x8x4x8x184xf32, #tpu.memory_space<vmem>> -> memref<1x8x1x8x184xf32, #tpu.memory_space<vmem>>
        %dma_start3A_279 = tpu.memref_squeeze %dma_start3A_278 : memref<1x8x1x8x184xf32, #tpu.memory_space<vmem>> -> memref<8x8x184xf32, #tpu.memory_space<vmem>>
        %dma_start3A_280 = arith.constant 0 : i32
        %dma_start3A_281 = arith.constant 0 : i32
        %dma_start3A_282 = tpu.memref_slice %arg2[%rem3A_235, %dma_start3A_280, %dma_start3A_281, %add3A_264] : memref<8x8x8x4104xf32, #tpu.memory_space<hbm>> -> memref<1x8x8x184xf32, #tpu.memory_space<hbm>>
        %dma_start3A_283 = tpu.memref_squeeze %dma_start3A_282 : memref<1x8x8x184xf32, #tpu.memory_space<hbm>> -> memref<8x8x184xf32, #tpu.memory_space<hbm>>
        tpu.enqueue_dma source(%dma_start3A_283 : memref<8x8x184xf32, #tpu.memory_space<hbm>>) target(%dma_start3A_279 : memref<8x8x184xf32, #tpu.memory_space<vmem>>) target_semaphore(%arg5 : memref<!tpu.dma_semaphore, #tpu.memory_space<semaphore_mem>>)
        %mul3A_284 = arith.constant 512 : i32
        %mul3A_285 = arith.muli %div3A_233, %mul3A_284 : i32
        %add3A_286 = arith.addi %sub3A_3, %mul3A_285 : i32
        %add3A_287 = arith.constant 256 : i32
        %add3A_288 = arith.addi %add3A_286, %add3A_287 : i32
        %dma_start3A_289 = arith.constant 2 : i32
        %dma_start3A_290 = arith.constant 0 : i32
        %dma_start3A_291 = arith.constant 0 : i32
        %dma_start3A_292 = arith.constant 0 : i32
        %dma_start3A_293 = tpu.memref_slice %arg4[%sub3A_231, %dma_start3A_290, %dma_start3A_289, %dma_start3A_291, %dma_start3A_292] : memref<2x8x4x8x184xf32, #tpu.memory_space<vmem>> -> memref<1x8x1x8x184xf32, #tpu.memory_space<vmem>>
        %dma_start3A_294 = tpu.memref_squeeze %dma_start3A_293 : memref<1x8x1x8x184xf32, #tpu.memory_space<vmem>> -> memref<8x8x184xf32, #tpu.memory_space<vmem>>
        %dma_start3A_295 = arith.constant 0 : i32
        %dma_start3A_296 = arith.constant 0 : i32
        %dma_start3A_297 = tpu.memref_slice %arg2[%rem3A_235, %dma_start3A_295, %dma_start3A_296, %add3A_288] : memref<8x8x8x4104xf32, #tpu.memory_space<hbm>> -> memref<1x8x8x184xf32, #tpu.memory_space<hbm>>
        %dma_start3A_298 = tpu.memref_squeeze %dma_start3A_297 : memref<1x8x8x184xf32, #tpu.memory_space<hbm>> -> memref<8x8x184xf32, #tpu.memory_space<hbm>>
        %dma_start3A_299 = arith.constant 0 : i32
        %dma_start3A_300 = arith.constant 0 : i32
        %dma_start3A_301 = arith.constant 0 : i32
        %dma_start3A_302 = tpu.memref_slice %arg4[%sub3A_231, %dma_start3A_299, %dma_start3A_289, %dma_start3A_300, %dma_start3A_301] : memref<2x8x4x8x184xf32, #tpu.memory_space<vmem>> -> memref<1x8x1x8x184xf32, #tpu.memory_space<vmem>>
        %dma_start3A_303 = tpu.memref_squeeze %dma_start3A_302 : memref<1x8x1x8x184xf32, #tpu.memory_space<vmem>> -> memref<8x8x184xf32, #tpu.memory_space<vmem>>
        %dma_start3A_304 = arith.constant 0 : i32
        %dma_start3A_305 = arith.constant 0 : i32
        %dma_start3A_306 = tpu.memref_slice %arg2[%rem3A_235, %dma_start3A_304, %dma_start3A_305, %add3A_288] : memref<8x8x8x4104xf32, #tpu.memory_space<hbm>> -> memref<1x8x8x184xf32, #tpu.memory_space<hbm>>
        %dma_start3A_307 = tpu.memref_squeeze %dma_start3A_306 : memref<1x8x8x184xf32, #tpu.memory_space<hbm>> -> memref<8x8x184xf32, #tpu.memory_space<hbm>>
        tpu.enqueue_dma source(%dma_start3A_307 : memref<8x8x184xf32, #tpu.memory_space<hbm>>) target(%dma_start3A_303 : memref<8x8x184xf32, #tpu.memory_space<vmem>>) target_semaphore(%arg5 : memref<!tpu.dma_semaphore, #tpu.memory_space<semaphore_mem>>)
        %mul3A_308 = arith.constant 512 : i32
        %mul3A_309 = arith.muli %div3A_233, %mul3A_308 : i32
        %add3A_310 = arith.addi %sub3A_3, %mul3A_309 : i32
        %add3A_311 = arith.constant 384 : i32
        %add3A_312 = arith.addi %add3A_310, %add3A_311 : i32
        %dma_start3A_313 = arith.constant 3 : i32
        %dma_start3A_314 = arith.constant 0 : i32
        %dma_start3A_315 = arith.constant 0 : i32
        %dma_start3A_316 = arith.constant 0 : i32
        %dma_start3A_317 = tpu.memref_slice %arg4[%sub3A_231, %dma_start3A_314, %dma_start3A_313, %dma_start3A_315, %dma_start3A_316] : memref<2x8x4x8x184xf32, #tpu.memory_space<vmem>> -> memref<1x8x1x8x184xf32, #tpu.memory_space<vmem>>
        %dma_start3A_318 = tpu.memref_squeeze %dma_start3A_317 : memref<1x8x1x8x184xf32, #tpu.memory_space<vmem>> -> memref<8x8x184xf32, #tpu.memory_space<vmem>>
        %dma_start3A_319 = arith.constant 0 : i32
        %dma_start3A_320 = arith.constant 0 : i32
        %dma_start3A_321 = tpu.memref_slice %arg2[%rem3A_235, %dma_start3A_319, %dma_start3A_320, %add3A_312] : memref<8x8x8x4104xf32, #tpu.memory_space<hbm>> -> memref<1x8x8x184xf32, #tpu.memory_space<hbm>>
        %dma_start3A_322 = tpu.memref_squeeze %dma_start3A_321 : memref<1x8x8x184xf32, #tpu.memory_space<hbm>> -> memref<8x8x184xf32, #tpu.memory_space<hbm>>
        %dma_start3A_323 = arith.constant 0 : i32
        %dma_start3A_324 = arith.constant 0 : i32
        %dma_start3A_325 = arith.constant 0 : i32
        %dma_start3A_326 = tpu.memref_slice %arg4[%sub3A_231, %dma_start3A_323, %dma_start3A_313, %dma_start3A_324, %dma_start3A_325] : memref<2x8x4x8x184xf32, #tpu.memory_space<vmem>> -> memref<1x8x1x8x184xf32, #tpu.memory_space<vmem>>
        %dma_start3A_327 = tpu.memref_squeeze %dma_start3A_326 : memref<1x8x1x8x184xf32, #tpu.memory_space<vmem>> -> memref<8x8x184xf32, #tpu.memory_space<vmem>>
        %dma_start3A_328 = arith.constant 0 : i32
        %dma_start3A_329 = arith.constant 0 : i32
        %dma_start3A_330 = tpu.memref_slice %arg2[%rem3A_235, %dma_start3A_328, %dma_start3A_329, %add3A_312] : memref<8x8x8x4104xf32, #tpu.memory_space<hbm>> -> memref<1x8x8x184xf32, #tpu.memory_space<hbm>>
        %dma_start3A_331 = tpu.memref_squeeze %dma_start3A_330 : memref<1x8x8x184xf32, #tpu.memory_space<hbm>> -> memref<8x8x184xf32, #tpu.memory_space<hbm>>
        tpu.enqueue_dma source(%dma_start3A_331 : memref<8x8x184xf32, #tpu.memory_space<hbm>>) target(%dma_start3A_327 : memref<8x8x184xf32, #tpu.memory_space<vmem>>) target_semaphore(%arg5 : memref<!tpu.dma_semaphore, #tpu.memory_space<semaphore_mem>>)
      } else {
      }
      %dma_wait3A = arith.constant 0 : i32
      %dma_wait3A_127 = arith.constant 0 : i32
      %dma_wait3A_128 = arith.constant 0 : i32
      %dma_wait3A_129 = arith.constant 0 : i32
      %dma_wait3A_130 = arith.constant 0 : i32
      %dma_wait3A_131 = arith.constant 0 : i32
      %dma_wait3A_132 = tpu.memref_slice %arg4[%dma_wait3A_127, %dma_wait3A_129, %dma_wait3A_128, %dma_wait3A_130, %dma_wait3A_131] : memref<2x8x4x8x184xf32, #tpu.memory_space<vmem>> -> memref<1x8x1x8x184xf32, #tpu.memory_space<vmem>>
      %dma_wait3A_133 = tpu.memref_squeeze %dma_wait3A_132 : memref<1x8x1x8x184xf32, #tpu.memory_space<vmem>> -> memref<8x8x184xf32, #tpu.memory_space<vmem>>
      %dma_wait3A_134 = arith.constant 0 : i32
      %dma_wait3A_135 = arith.constant 0 : i32
      %dma_wait3A_136 = arith.constant 0 : i32
      %dma_wait3A_137 = tpu.memref_slice %arg2[%dma_wait3A, %dma_wait3A_134, %dma_wait3A_135, %dma_wait3A_136] : memref<8x8x8x4104xf32, #tpu.memory_space<hbm>> -> memref<1x8x8x184xf32, #tpu.memory_space<hbm>>
      %dma_wait3A_138 = tpu.memref_squeeze %dma_wait3A_137 : memref<1x8x8x184xf32, #tpu.memory_space<hbm>> -> memref<8x8x184xf32, #tpu.memory_space<hbm>>
      %dma_wait3A_139 = arith.constant 0 : i32
      %dma_wait3A_140 = arith.constant 0 : i32
      %dma_wait3A_141 = arith.constant 0 : i32
      %dma_wait3A_142 = tpu.memref_slice %arg4[%dma_wait3A_127, %dma_wait3A_139, %dma_wait3A_128, %dma_wait3A_140, %dma_wait3A_141] : memref<2x8x4x8x184xf32, #tpu.memory_space<vmem>> -> memref<1x8x1x8x184xf32, #tpu.memory_space<vmem>>
      %dma_wait3A_143 = tpu.memref_squeeze %dma_wait3A_142 : memref<1x8x1x8x184xf32, #tpu.memory_space<vmem>> -> memref<8x8x184xf32, #tpu.memory_space<vmem>>
      %dma_wait3A_144 = arith.constant 0 : i32
      %dma_wait3A_145 = arith.constant 0 : i32
      %dma_wait3A_146 = arith.constant 0 : i32
      %dma_wait3A_147 = tpu.memref_slice %arg2[%dma_wait3A, %dma_wait3A_144, %dma_wait3A_145, %dma_wait3A_146] : memref<8x8x8x4104xf32, #tpu.memory_space<hbm>> -> memref<1x8x8x184xf32, #tpu.memory_space<hbm>>
      %dma_wait3A_148 = tpu.memref_squeeze %dma_wait3A_147 : memref<1x8x8x184xf32, #tpu.memory_space<hbm>> -> memref<8x8x184xf32, #tpu.memory_space<hbm>>
      tpu.wait_dma2 semaphore(%arg5 : memref<!tpu.dma_semaphore, #tpu.memory_space<semaphore_mem>>) src(%dma_wait3A_148 : memref<8x8x184xf32, #tpu.memory_space<hbm>>) dst(%dma_wait3A_143 : memref<8x8x184xf32, #tpu.memory_space<vmem>>)
      %dma_wait3A_149 = arith.constant 0 : i32
      %dma_wait3A_150 = arith.constant 0 : i32
      %dma_wait3A_151 = arith.constant 1 : i32
      %dma_wait3A_152 = arith.constant 0 : i32
      %dma_wait3A_153 = arith.constant 0 : i32
      %dma_wait3A_154 = arith.constant 0 : i32
      %dma_wait3A_155 = tpu.memref_slice %arg4[%dma_wait3A_150, %dma_wait3A_152, %dma_wait3A_151, %dma_wait3A_153, %dma_wait3A_154] : memref<2x8x4x8x184xf32, #tpu.memory_space<vmem>> -> memref<1x8x1x8x184xf32, #tpu.memory_space<vmem>>
      %dma_wait3A_156 = tpu.memref_squeeze %dma_wait3A_155 : memref<1x8x1x8x184xf32, #tpu.memory_space<vmem>> -> memref<8x8x184xf32, #tpu.memory_space<vmem>>
      %dma_wait3A_157 = arith.constant 0 : i32
      %dma_wait3A_158 = arith.constant 0 : i32
      %dma_wait3A_159 = arith.constant 0 : i32
      %dma_wait3A_160 = tpu.memref_slice %arg2[%dma_wait3A_149, %dma_wait3A_157, %dma_wait3A_158, %dma_wait3A_159] : memref<8x8x8x4104xf32, #tpu.memory_space<hbm>> -> memref<1x8x8x184xf32, #tpu.memory_space<hbm>>
      %dma_wait3A_161 = tpu.memref_squeeze %dma_wait3A_160 : memref<1x8x8x184xf32, #tpu.memory_space<hbm>> -> memref<8x8x184xf32, #tpu.memory_space<hbm>>
      %dma_wait3A_162 = arith.constant 0 : i32
      %dma_wait3A_163 = arith.constant 0 : i32
      %dma_wait3A_164 = arith.constant 0 : i32
      %dma_wait3A_165 = tpu.memref_slice %arg4[%dma_wait3A_150, %dma_wait3A_162, %dma_wait3A_151, %dma_wait3A_163, %dma_wait3A_164] : memref<2x8x4x8x184xf32, #tpu.memory_space<vmem>> -> memref<1x8x1x8x184xf32, #tpu.memory_space<vmem>>
      %dma_wait3A_166 = tpu.memref_squeeze %dma_wait3A_165 : memref<1x8x1x8x184xf32, #tpu.memory_space<vmem>> -> memref<8x8x184xf32, #tpu.memory_space<vmem>>
      %dma_wait3A_167 = arith.constant 0 : i32
      %dma_wait3A_168 = arith.constant 0 : i32
      %dma_wait3A_169 = arith.constant 0 : i32
      %dma_wait3A_170 = tpu.memref_slice %arg2[%dma_wait3A_149, %dma_wait3A_167, %dma_wait3A_168, %dma_wait3A_169] : memref<8x8x8x4104xf32, #tpu.memory_space<hbm>> -> memref<1x8x8x184xf32, #tpu.memory_space<hbm>>
      %dma_wait3A_171 = tpu.memref_squeeze %dma_wait3A_170 : memref<1x8x8x184xf32, #tpu.memory_space<hbm>> -> memref<8x8x184xf32, #tpu.memory_space<hbm>>
      tpu.wait_dma2 semaphore(%arg5 : memref<!tpu.dma_semaphore, #tpu.memory_space<semaphore_mem>>) src(%dma_wait3A_171 : memref<8x8x184xf32, #tpu.memory_space<hbm>>) dst(%dma_wait3A_166 : memref<8x8x184xf32, #tpu.memory_space<vmem>>)
      %dma_wait3A_172 = arith.constant 0 : i32
      %dma_wait3A_173 = arith.constant 0 : i32
      %dma_wait3A_174 = arith.constant 2 : i32
      %dma_wait3A_175 = arith.constant 0 : i32
      %dma_wait3A_176 = arith.constant 0 : i32
      %dma_wait3A_177 = arith.constant 0 : i32
      %dma_wait3A_178 = tpu.memref_slice %arg4[%dma_wait3A_173, %dma_wait3A_175, %dma_wait3A_174, %dma_wait3A_176, %dma_wait3A_177] : memref<2x8x4x8x184xf32, #tpu.memory_space<vmem>> -> memref<1x8x1x8x184xf32, #tpu.memory_space<vmem>>
      %dma_wait3A_179 = tpu.memref_squeeze %dma_wait3A_178 : memref<1x8x1x8x184xf32, #tpu.memory_space<vmem>> -> memref<8x8x184xf32, #tpu.memory_space<vmem>>
      %dma_wait3A_180 = arith.constant 0 : i32
      %dma_wait3A_181 = arith.constant 0 : i32
      %dma_wait3A_182 = arith.constant 0 : i32
      %dma_wait3A_183 = tpu.memref_slice %arg2[%dma_wait3A_172, %dma_wait3A_180, %dma_wait3A_181, %dma_wait3A_182] : memref<8x8x8x4104xf32, #tpu.memory_space<hbm>> -> memref<1x8x8x184xf32, #tpu.memory_space<hbm>>
      %dma_wait3A_184 = tpu.memref_squeeze %dma_wait3A_183 : memref<1x8x8x184xf32, #tpu.memory_space<hbm>> -> memref<8x8x184xf32, #tpu.memory_space<hbm>>
      %dma_wait3A_185 = arith.constant 0 : i32
      %dma_wait3A_186 = arith.constant 0 : i32
      %dma_wait3A_187 = arith.constant 0 : i32
      %dma_wait3A_188 = tpu.memref_slice %arg4[%dma_wait3A_173, %dma_wait3A_185, %dma_wait3A_174, %dma_wait3A_186, %dma_wait3A_187] : memref<2x8x4x8x184xf32, #tpu.memory_space<vmem>> -> memref<1x8x1x8x184xf32, #tpu.memory_space<vmem>>
      %dma_wait3A_189 = tpu.memref_squeeze %dma_wait3A_188 : memref<1x8x1x8x184xf32, #tpu.memory_space<vmem>> -> memref<8x8x184xf32, #tpu.memory_space<vmem>>
      %dma_wait3A_190 = arith.constant 0 : i32
      %dma_wait3A_191 = arith.constant 0 : i32
      %dma_wait3A_192 = arith.constant 0 : i32
      %dma_wait3A_193 = tpu.memref_slice %arg2[%dma_wait3A_172, %dma_wait3A_190, %dma_wait3A_191, %dma_wait3A_192] : memref<8x8x8x4104xf32, #tpu.memory_space<hbm>> -> memref<1x8x8x184xf32, #tpu.memory_space<hbm>>
      %dma_wait3A_194 = tpu.memref_squeeze %dma_wait3A_193 : memref<1x8x8x184xf32, #tpu.memory_space<hbm>> -> memref<8x8x184xf32, #tpu.memory_space<hbm>>
      tpu.wait_dma2 semaphore(%arg5 : memref<!tpu.dma_semaphore, #tpu.memory_space<semaphore_mem>>) src(%dma_wait3A_194 : memref<8x8x184xf32, #tpu.memory_space<hbm>>) dst(%dma_wait3A_189 : memref<8x8x184xf32, #tpu.memory_space<vmem>>)
      %dma_wait3A_195 = arith.constant 0 : i32
      %dma_wait3A_196 = arith.constant 0 : i32
      %dma_wait3A_197 = arith.constant 3 : i32
      %dma_wait3A_198 = arith.constant 0 : i32
      %dma_wait3A_199 = arith.constant 0 : i32
      %dma_wait3A_200 = arith.constant 0 : i32
      %dma_wait3A_201 = tpu.memref_slice %arg4[%dma_wait3A_196, %dma_wait3A_198, %dma_wait3A_197, %dma_wait3A_199, %dma_wait3A_200] : memref<2x8x4x8x184xf32, #tpu.memory_space<vmem>> -> memref<1x8x1x8x184xf32, #tpu.memory_space<vmem>>
      %dma_wait3A_202 = tpu.memref_squeeze %dma_wait3A_201 : memref<1x8x1x8x184xf32, #tpu.memory_space<vmem>> -> memref<8x8x184xf32, #tpu.memory_space<vmem>>
      %dma_wait3A_203 = arith.constant 0 : i32
      %dma_wait3A_204 = arith.constant 0 : i32
      %dma_wait3A_205 = arith.constant 0 : i32
      %dma_wait3A_206 = tpu.memref_slice %arg2[%dma_wait3A_195, %dma_wait3A_203, %dma_wait3A_204, %dma_wait3A_205] : memref<8x8x8x4104xf32, #tpu.memory_space<hbm>> -> memref<1x8x8x184xf32, #tpu.memory_space<hbm>>
      %dma_wait3A_207 = tpu.memref_squeeze %dma_wait3A_206 : memref<1x8x8x184xf32, #tpu.memory_space<hbm>> -> memref<8x8x184xf32, #tpu.memory_space<hbm>>
      %dma_wait3A_208 = arith.constant 0 : i32
      %dma_wait3A_209 = arith.constant 0 : i32
      %dma_wait3A_210 = arith.constant 0 : i32
      %dma_wait3A_211 = tpu.memref_slice %arg4[%dma_wait3A_196, %dma_wait3A_208, %dma_wait3A_197, %dma_wait3A_209, %dma_wait3A_210] : memref<2x8x4x8x184xf32, #tpu.memory_space<vmem>> -> memref<1x8x1x8x184xf32, #tpu.memory_space<vmem>>
      %dma_wait3A_212 = tpu.memref_squeeze %dma_wait3A_211 : memref<1x8x1x8x184xf32, #tpu.memory_space<vmem>> -> memref<8x8x184xf32, #tpu.memory_space<vmem>>
      %dma_wait3A_213 = arith.constant 0 : i32
      %dma_wait3A_214 = arith.constant 0 : i32
      %dma_wait3A_215 = arith.constant 0 : i32
      %dma_wait3A_216 = tpu.memref_slice %arg2[%dma_wait3A_195, %dma_wait3A_213, %dma_wait3A_214, %dma_wait3A_215] : memref<8x8x8x4104xf32, #tpu.memory_space<hbm>> -> memref<1x8x8x184xf32, #tpu.memory_space<hbm>>
      %dma_wait3A_217 = tpu.memref_squeeze %dma_wait3A_216 : memref<1x8x8x184xf32, #tpu.memory_space<hbm>> -> memref<8x8x184xf32, #tpu.memory_space<hbm>>
      tpu.wait_dma2 semaphore(%arg5 : memref<!tpu.dma_semaphore, #tpu.memory_space<semaphore_mem>>) src(%dma_wait3A_217 : memref<8x8x184xf32, #tpu.memory_space<hbm>>) dst(%dma_wait3A_212 : memref<8x8x184xf32, #tpu.memory_space<vmem>>)
      %div3A_218 = arith.constant 8 : i32
      %div3A_219 = arith.divsi %scan3A_118, %div3A_218 : i32
      %rem3A_220 = arith.constant 8 : i32
      %rem3A_221 = arith.remsi %scan3A_118, %rem3A_220 : i32
      %scan3A_222 = arith.constant 0 : i32
      %scan3A_223 = arith.constant 0 : i32
      %scan3A_224 = arith.constant 8 : i32
      %scan3A_225 = arith.addi %scan3A_223, %scan3A_224 : i32
      %scan3A_226 = arith.constant 1 : i32
      scf.for %scan3A_228 = %scan3A_223 to %scan3A_225 step %scan3A_226  : i32 {
        %sub3A_229 = arith.constant 7 : i32
        %sub3A_230 = arith.subi %sub3A_229, %rem3A_221 : i32
        %mul3A_231 = arith.constant 8 : i32
        %mul3A_232 = arith.muli %mul3A_231, %scan3A_228 : i32
        %add3A_233 = arith.addi %sub3A_230, %mul3A_232 : i32
        %mul3A_234 = arith.constant 8 : i32
        %mul3A_235 = arith.muli %mul3A_234, %scan3A_228 : i32
        %sub3A_236 = arith.constant 56 : i32
        %sub3A_237 = arith.subi %sub3A_236, %mul3A_235 : i32
        %multiple_of3A = tpu.assume_multiple %sub3A_237, 8 : i32
        %add3A_238 = arith.addi %mul3A_2, %add3A_233 : i32
        %mul3A_239 = arith.constant 4 : i32
        %mul3A_240 = arith.muli %div3A_219, %mul3A_239 : i32
        %dma_start3A_241 = arith.constant 0 : i32
        %dma_start3A_242 = arith.constant 0 : i32
        %dma_start3A_243 = arith.constant 0 : i32
        %dma_start3A_244 = tpu.memref_slice %arg4[%rem3A_120, %dma_start3A_241, %dma_start3A_242, %dma_start3A_243, %multiple_of3A] : memref<2x8x4x8x184xf32, #tpu.memory_space<vmem>> -> memref<1x8x4x8x128xf32, #tpu.memory_space<vmem>>
        %dma_start3A_245 = tpu.memref_squeeze %dma_start3A_244 : memref<1x8x4x8x128xf32, #tpu.memory_space<vmem>> -> memref<8x4x8x128xf32, #tpu.memory_space<vmem>>
        %dma_start3A_246 = arith.constant 0 : i32
        %dma_start3A_247 = arith.constant 0 : i32
        %dma_start3A_248 = arith.constant 0 : i32
        %dma_start3A_249 = tpu.memref_slice %arg3[%add3A_238, %dma_start3A_246, %mul3A_240, %dma_start3A_247, %dma_start3A_248] : memref<2048x8x16x8x128xf32, #tpu.memory_space<hbm>> -> memref<1x8x4x8x128xf32, #tpu.memory_space<hbm>>
        %dma_start3A_250 = tpu.memref_squeeze %dma_start3A_249 : memref<1x8x4x8x128xf32, #tpu.memory_space<hbm>> -> memref<8x4x8x128xf32, #tpu.memory_space<hbm>>
        %dma_start3A_251 = arith.constant 0 : i32
        %dma_start3A_252 = arith.constant 0 : i32
        %dma_start3A_253 = arith.constant 0 : i32
        %dma_start3A_254 = tpu.memref_slice %arg3[%add3A_238, %dma_start3A_251, %mul3A_240, %dma_start3A_252, %dma_start3A_253] : memref<2048x8x16x8x128xf32, #tpu.memory_space<hbm>> -> memref<1x8x4x8x128xf32, #tpu.memory_space<hbm>>
        %dma_start3A_255 = tpu.memref_squeeze %dma_start3A_254 : memref<1x8x4x8x128xf32, #tpu.memory_space<hbm>> -> memref<8x4x8x128xf32, #tpu.memory_space<hbm>>
        %dma_start3A_256 = arith.constant 0 : i32
        %dma_start3A_257 = arith.constant 0 : i32
        %dma_start3A_258 = arith.constant 0 : i32
        %dma_start3A_259 = tpu.memref_slice %arg4[%rem3A_120, %dma_start3A_256, %dma_start3A_257, %dma_start3A_258, %multiple_of3A] : memref<2x8x4x8x184xf32, #tpu.memory_space<vmem>> -> memref<1x8x4x8x128xf32, #tpu.memory_space<vmem>>
        %dma_start3A_260 = tpu.memref_squeeze %dma_start3A_259 : memref<1x8x4x8x128xf32, #tpu.memory_space<vmem>> -> memref<8x4x8x128xf32, #tpu.memory_space<vmem>>
        tpu.enqueue_dma source(%dma_start3A_260 : memref<8x4x8x128xf32, #tpu.memory_space<vmem>>) target(%dma_start3A_255 : memref<8x4x8x128xf32, #tpu.memory_space<hbm>>) target_semaphore(%arg6 : memref<!tpu.dma_semaphore, #tpu.memory_space<semaphore_mem>>)
      }
      %scan3A_227 = arith.constant 8 : i32
    }
    %scan3A_111 = arith.constant 32 : i32
    %scan3A_112 = arith.constant 0 : i32
    %scan3A_113 = arith.constant 0 : i32
    %scan3A_114 = arith.constant 8 : i32
    %scan3A_115 = arith.addi %scan3A_113, %scan3A_114 : i32
    %scan3A_116 = arith.constant 1 : i32
    scf.for %scan3A_118 = %scan3A_113 to %scan3A_115 step %scan3A_116  : i32 {
      %dma_wait3A = arith.constant 0 : i32
      %dma_wait3A_119 = arith.constant 0 : i32
      %dma_wait3A_120 = arith.constant 0 : i32
      %dma_wait3A_121 = arith.constant 0 : i32
      %dma_wait3A_122 = arith.constant 0 : i32
      %dma_wait3A_123 = arith.constant 0 : i32
      %dma_wait3A_124 = tpu.memref_slice %arg4[%dma_wait3A, %dma_wait3A_120, %dma_wait3A_121, %dma_wait3A_122, %dma_wait3A_123] : memref<2x8x4x8x184xf32, #tpu.memory_space<vmem>> -> memref<1x8x4x8x128xf32, #tpu.memory_space<vmem>>
      %dma_wait3A_125 = tpu.memref_squeeze %dma_wait3A_124 : memref<1x8x4x8x128xf32, #tpu.memory_space<vmem>> -> memref<8x4x8x128xf32, #tpu.memory_space<vmem>>
      %dma_wait3A_126 = arith.constant 0 : i32
      %dma_wait3A_127 = arith.constant 0 : i32
      %dma_wait3A_128 = arith.constant 0 : i32
      %dma_wait3A_129 = arith.constant 0 : i32
      %dma_wait3A_130 = tpu.memref_slice %arg3[%dma_wait3A_119, %dma_wait3A_126, %dma_wait3A_127, %dma_wait3A_128, %dma_wait3A_129] : memref<2048x8x16x8x128xf32, #tpu.memory_space<hbm>> -> memref<1x8x4x8x128xf32, #tpu.memory_space<hbm>>
      %dma_wait3A_131 = tpu.memref_squeeze %dma_wait3A_130 : memref<1x8x4x8x128xf32, #tpu.memory_space<hbm>> -> memref<8x4x8x128xf32, #tpu.memory_space<hbm>>
      %dma_wait3A_132 = arith.constant 0 : i32
      %dma_wait3A_133 = arith.constant 0 : i32
      %dma_wait3A_134 = arith.constant 0 : i32
      %dma_wait3A_135 = arith.constant 0 : i32
      %dma_wait3A_136 = tpu.memref_slice %arg3[%dma_wait3A_119, %dma_wait3A_132, %dma_wait3A_133, %dma_wait3A_134, %dma_wait3A_135] : memref<2048x8x16x8x128xf32, #tpu.memory_space<hbm>> -> memref<1x8x4x8x128xf32, #tpu.memory_space<hbm>>
      %dma_wait3A_137 = tpu.memref_squeeze %dma_wait3A_136 : memref<1x8x4x8x128xf32, #tpu.memory_space<hbm>> -> memref<8x4x8x128xf32, #tpu.memory_space<hbm>>
      %dma_wait3A_138 = arith.constant 0 : i32
      %dma_wait3A_139 = arith.constant 0 : i32
      %dma_wait3A_140 = arith.constant 0 : i32
      %dma_wait3A_141 = arith.constant 0 : i32
      %dma_wait3A_142 = tpu.memref_slice %arg4[%dma_wait3A, %dma_wait3A_138, %dma_wait3A_139, %dma_wait3A_140, %dma_wait3A_141] : memref<2x8x4x8x184xf32, #tpu.memory_space<vmem>> -> memref<1x8x4x8x128xf32, #tpu.memory_space<vmem>>
      %dma_wait3A_143 = tpu.memref_squeeze %dma_wait3A_142 : memref<1x8x4x8x128xf32, #tpu.memory_space<vmem>> -> memref<8x4x8x128xf32, #tpu.memory_space<vmem>>
      tpu.wait_dma2 semaphore(%arg6 : memref<!tpu.dma_semaphore, #tpu.memory_space<semaphore_mem>>) src(%dma_wait3A_143 : memref<8x4x8x128xf32, #tpu.memory_space<vmem>>) dst(%dma_wait3A_137 : memref<8x4x8x128xf32, #tpu.memory_space<hbm>>)
    }
    %scan3A_117 = arith.constant 8 : i32
    return
  }
}

</mosaic_0001>

<sc_bundles>
// kernel: kernel.3.cloned.1.call-start
scs
__scs_entry_jumppad:
0x0: {  	(pc) =	sbr.rel $0x88, $3  }
0x1: {  	(tag) =	ssettag $0x0;
	lr =	simm.s32 $0x1  }
0x2: {  	[smem:$0x3FA0] =	sst lr;
	_ =	strace $0xD0000000  }
0x3: {  	_ = 	snop  }
0x4: {  	_ = 	snop  }
0x5: {  	_ = 	snop  }
0x6: {  	_ = 	snop  }
0x7: {  	_ = 	snop  }
__scs_overlays_trampoline_lowered:
0x8: {  	[smem:$0x3FAF] =	sst s0  }
0x9: {  	[smem:$0x3FB0] =	sst s1  }
0xa: {  	[smem:$0x3FB1] =	sst s2  }
0xb: {  	[smem:$0x3FB2] =	sst s3  }
0xc: {  	[smem:$0x3FB3] =	sst s4  }
0xd: {  	[smem:$0x3FB4] =	sst s5  }
0xe: {  	[smem:$0x3FB5] =	sst s6  }
0xf: {  	[smem:$0x3FB6] =	sst s7  }
0x10: {  	[smem:$0x3FB7] =	sst s8  }
0x11: {  	[smem:$0x3FB8] =	sst s9;
	s0 =	simm.s32 @!p0 $0x0  }
0x12: {  	s1 =	sld [smem:$0x3F9E];
	s0 =	simm.s32 @p0 $0x1  }
0x13: {  	[smem:$0x3FB9] =	sst s0;
	s0 =	simm.s32 @!p1 $0x0  }
0x14: {  	s2 =	sld [smem:$0x3F9D];
	s0 =	simm.s32 @p1 $0x1  }
0x15: {  	[smem:$0x3FBA] =	sst s0;
	s0 =	simm.s32 @!p2 $0x0  }
0x16: {  	s3 =	sld [smem:$0x3FDB];
	s0 =	simm.s32 @p2 $0x1  }
0x17: {  	s4 =	simm.s32 $0x1BF5;
	[smem:$0x3FBC] =	sst s0  }
0x18: {  	s0 =	sld [smem:$0x3F9F];
	_ =	swait.ge [sflag:s4], $0x0  }
0x19: {  	s7 =	sld [smem:$0x3FA0]  }
0x1a: {  	s8 =	sadd.s32 $0xFFFFE003, lr  }
0x1b: {  	s9 =	sadd.s32 $0xFFFFFEF7, lr;
	s5 =	simm.s32 $0xFFFFFFFF;
	p2 =	slt.u32 s8, $0xFFFFF086  }
0x1c: {  	p1 =	slt.u32 s9, $0xF7A;
	s5 =	simm.s32 @!p2 $0x0  }
0x1d: {  	s5 =	simm.s32 @p1 $0x1;
	p0 =	seq.s32 s7, s2  }
0x1e: {  	s7 =	smul.u32 @!p0 $0xF7A, s2;
	p2 =	seq.s32 @!p0 s5, $0x0  }
0x1f: {  	s9 =	smul.u32 $0xF7A, s1;
	s8 =	simm.s32 @!p0 $0x1BF5;
	p2 =	por !p2, p0  }
0x20: {  	[sflag:s8] =	ssyncset.s32 @!p0 $0xFFFFF086;
	s6 =	sadd.s32 @!p0 s3, s7;
	s7 =	simm.s32 @!p0 $0x108  }
0x21: {  	s3 =	sadd.s32 s3, s9;
	s6 =	sadd.s32 @!p0 $0x88, s6;
	s7 =	simm.s32 @p2 $0x1082  }
0x22: {  	[simem:s7], [sflag:s8] =	dma.local @!p0 [hbm:s6], $0xF7A  }
0x23: {  	s9 =	sor.u32 $0xD0000000, s2;
	s6 =	simm.s32 $0x108;
	_ =	swait.ge @!p0 [sflag:s8], $0x0  }
0x24: {  	s3 =	sadd.s32 $0x88, s3;
	s6 =	simm.s32 @!p1 $0x1082;
	[sflag:s4] =	ssyncset.s32 $0xFFFFF086  }
0x25: {  	[simem:s6], [sflag:s4] =	dma.local [hbm:s3], $0xF7A  }
0x26: {  	[smem:$0x3FA0] =	sst s1;
	(tag) =	ssettag s2;
	_ =	strace s9  }
0x27: {  	s1 =	sld [smem:$0x3FB0]  }
0x28: {  	s2 =	sld [smem:$0x3FB1]  }
0x29: {  	s4 =	sld [smem:$0x3FB3]  }
0x2a: {  	p0 =	seq.s32 s5, $0x0;
	s5 =	sld [smem:$0x3FB4]  }
0x2b: {  	s6 =	sld [smem:$0x3FB5]  }
0x2c: {  	s7 =	sld [smem:$0x3FB6]  }
0x2d: {  	s3 =	simm.s32 $0x108;
	s8 =	sld [smem:$0x3FB7]  }
0x2e: {  	s3 =	simm.s32 @!p0 $0x1082;
	s9 =	sld [smem:$0x3FB8]  }
0x2f: {  	lr =	sadd.s32 s0, s3;
	s0 =	sld [smem:$0x3FAF]  }
0x30: {  	s3 =	sld [smem:$0x3FB2]  }
0x31: {  	[smem:$0x3FBB] =	sst s10  }
0x32: {  	s10 =	sld [smem:$0x3FB9];
	_ =	sdelay $0x3  }
0x33: {  	p0 =	seq.s32 s10, $0x1;
	s10 =	sld [smem:$0x3FBB];
	_ =	sdelay $0x3  }
0x34: {  	[smem:$0x3FBB] =	sst s10  }
0x35: {  	s10 =	sld [smem:$0x3FBA];
	_ =	sdelay $0x3  }
0x36: {  	p1 =	seq.s32 s10, $0x1;
	s10 =	sld [smem:$0x3FBB];
	_ =	sdelay $0x3  }
0x37: {  	[smem:$0x3FBB] =	sst s10  }
0x38: {  	s10 =	sld [smem:$0x3FBC]  }
0x39: {  	_ = 	snop;
	(pc) =	sbr.ind lr, $3  }
0x3a: {  	_ = 	snop  }
0x3b: {  	_ = 	snop  }
0x3c: {  	p2 =	seq.s32 s10, $0x1;
	s10 =	sld [smem:$0x3FBB]  }
0x3d: {  	_ =	shalt  }
0x3e: {  	_ =	shalt  }
0x3f: {  	_ =	shalt  }
0x40: {  	_ =	shalt  }
0x41: {  	_ =	shalt  }
0x42: {  	_ =	shalt  }
0x43: {  	_ =	shalt  }
0x44: {  	_ =	shalt  }
0x45: {  	_ =	shalt  }
0x46: {  	_ =	shalt  }
0x47: {  	_ =	shalt  }
0x48: {  	_ =	shalt  }
0x49: {  	_ =	shalt  }
0x4a: {  	_ =	shalt  }
0x4b: {  	_ =	shalt  }
0x4c: {  	_ =	shalt  }
0x4d: {  	_ =	shalt  }
0x4e: {  	_ =	shalt  }
0x4f: {  	_ =	shalt  }
0x50: {  	_ =	shalt  }
0x51: {  	_ =	shalt  }
0x52: {  	_ =	shalt  }
0x53: {  	_ =	shalt  }
0x54: {  	_ =	shalt  }
0x55: {  	_ =	shalt  }
0x56: {  	_ =	shalt  }
0x57: {  	_ =	shalt  }
0x58: {  	_ =	shalt  }
0x59: {  	_ =	shalt  }
0x5a: {  	_ =	shalt  }
0x5b: {  	_ =	shalt  }
0x5c: {  	_ =	shalt  }
0x5d: {  	_ =	shalt  }
0x5e: {  	_ =	shalt  }
0x5f: {  	_ =	shalt  }
0x60: {  	_ =	shalt  }
0x61: {  	_ =	shalt  }
0x62: {  	_ =	shalt  }
0x63: {  	_ =	shalt  }
0x64: {  	_ =	shalt  }
0x65: {  	_ =	shalt  }
0x66: {  	_ =	shalt  }
0x67: {  	_ =	shalt  }
0x68: {  	_ =	shalt  }
0x69: {  	_ =	shalt  }
0x6a: {  	_ =	shalt  }
0x6b: {  	_ =	shalt  }
0x6c: {  	_ =	shalt  }
0x6d: {  	_ =	shalt  }
0x6e: {  	_ =	shalt  }
0x6f: {  	_ =	shalt  }
0x70: {  	_ =	shalt  }
0x71: {  	_ =	shalt  }
0x72: {  	_ =	shalt  }
0x73: {  	_ =	shalt  }
0x74: {  	_ =	shalt  }
0x75: {  	_ =	shalt  }
0x76: {  	_ =	shalt  }
0x77: {  	_ =	shalt  }
0x78: {  	_ =	shalt  }
0x79: {  	_ =	shalt  }
0x7a: {  	_ =	shalt  }
0x7b: {  	_ =	shalt  }
0x7c: {  	_ =	shalt  }
0x7d: {  	_ =	shalt  }
0x7e: {  	_ =	shalt  }
0x7f: {  	_ =	shalt  }
0x80: {  	_ =	shalt  }
0x81: {  	_ =	shalt  }
0x82: {  	_ =	shalt  }
0x83: {  	_ =	shalt  }
0x84: {  	_ =	shalt  }
0x85: {  	_ =	shalt  }
0x86: {  	_ =	shalt  }
0x87: {  	_ =	shalt  }
.Lfunc_end0:
.L_simem_size_0:
called_computation_lowered:
.L_overlay_start_0:
0x88: {  	s2 =	sld [smem:$0x3FD9]  }
0x89: {  	s3 =	sld [smem:$0x3FFE];
	_ =	sdelay $0x1  }
0x8a: {  	s1 =	srdreg.scid  }
0x8b: {  	s0 =	sand.u32 $0x1, s1  }
0x8c: {  	s17 =	sshll.u32 s0, $0xA;
	s2 =	sadd.s32 s3, s2  }
0x8d: {  	s2 =	sadd.s32 s2, s17  }
0x8e: {  	[smem:$0x3FC7] =	sst s2  }
0x8f: {  	_ = 	snop  }
0x90: {  	s2 =	sld [smem:$0x3FD0];
	(tm) =	ssettm $0x1  }
0x91: {  	s18 =	sld [smem:$0x3FFB];
	_ =	sdelay $0x3  }
0x92: {  	_ =	strace s18  }
0x93: {  	s3 =	sld [smem:$0x3FFC];
	_ =	sdelay $0x3  }
0x94: {  	_ =	strace s3  }
0x95: {  	s3 =	sld [smem:$0x3FFD];
	_ =	sdelay $0x3  }
0x96: {  	_ =	strace s3  }
0x97: {  	_ =	strace $0x8FFFFFFF  }
0x98: {  	s19 =	sld [smem:$0x3FDB];
	_ =	sdelay $0x1  }
0x99: {  	s4 =	simm.s32 $_scs_section_size  }
0x9a: {  	s5 =	simm.s32 $_size__tile_overlayer_lowered;
	s6 =	simm.s32 $_tile_overlayer_lowered  }
0x9b: {  	s22 =	simm.s32 $0x1BFF;
	s21 =	sshll.u32 s6, $0x1;
	s3 =	sadd.s32 s4, s19  }
0x9c: {  	s7 =	simm.s32 $0x0;
	s20 =	sshll.u32 s5, $0x1;
	s5 =	sadd.s32 s21, s3  }
0x9d: {  	[timem:s7], [sflag:s22] =	dma.local [hbm:s5], s20  }
0x9e: {  	_ =	swait.ge [sflag:s22], s20  }
0x9f: {  	s4 =	ssub.s32 $0x0, s20;
	[sflag:s22] =	ssyncset.done $0x0  }
0xa0: {  	[sflag:s22] =	ssyncadd.s32 s4;
	_ =	sdelay $0x1  }
0xa1: {  	s23 =	simm.s32 $0x1B8B  }
0xa2: {  	_ =	swait.ge [sflag:s23], $0x1  }
0xa3: {  	[sflag:s23] =	ssyncset.done $0x0  }
0xa4: {  	s25 =	simm.s32 $0x1B8E;
	s24 =	sld [smem:$0x3FFE];
	[sflag:s23] =	ssyncadd.s32 $0xFFFFFFFF  }
0xa5: {  	s26 =	simm.s32 $execute0_lowered;
	[smem:$0x3FD2] =	sst s25  }
0xa6: {  	s5 =	sshll.u32 s26, $0x1;
	_ =	strace $0x80000046;
	[dreg:$0x1] =	wrdreg $0xFFFFFFFF  }
0xa7: {  	s28 =	simm.s32 $_size_execute0_lowered;
	s3 =	sadd.s32 s3, s5;
	[dreg:$0x0] =	wrdreg $0x0  }
0xa8: {  	s5 =	sshll.u32 s28, $0x1;
	[dreg:$0x2] =	wrdreg s3  }
0xa9: {  	[dreg:$0x3] =	wrdreg s5  }
0xaa: {  	[dreg:$0x4] =	wrdreg $0xC0  }
0xab: {  	_ =	task [dreg:s7], $0x5FFFF  }
0xac: {  	[dreg:$0x1] =	wrdreg $0xFFFFFFFF  }
0xad: {  	[dreg:$0x0] =	wrdreg $0x60  }
0xae: {  	[dreg:$0x2] =	wrdreg s24  }
0xaf: {  	[dreg:$0x3] =	wrdreg s2  }
0xb0: {  	[dreg:$0x4] =	wrdreg $0x9  }
0xb1: {  	_ =	task.clear_ibuf [dreg:s7], $0x5FFFF;
	_ =	strace $0x90000046  }
0xb2: {  	s29 =	simm.s32 $0x9;
	_ =	strace $0x80000048  }
0xb3: {  	_ =	swait.ge [sflag:s29], $0x1  }
0xb4: {  	[sflag:s29] =	ssyncadd.s32 $0xFFFFFFFF  }
0xb5: {  	_ =	strace $0x90000048  }
0xb6: {  	_ =	sfence  }
0xb7: {  	s30 =	sld [smem:$0x0];
	_ =	sdelay $0x2  }
0xb8: {  	s31 =	sshll.u32 s1, $0xD;
	s1 =	sshrl.u32 s1, $0x2  }
0xb9: {  	s3 =	sand.u32 $0x4000, s31;
	s1 =	sadd.s32 s1, s30  }
0xba: {  	s0 =	sor.u32 s3, s0;
	s1 =	sshll.u32 s1, $0x11  }
0xbb: {  	s0 =	sor.u32 s1, s0  }
0xbc: {  	s0 =	sadd.s32 $0x8F2B, s0  }
0xbd: {  	[sflag:s0] =	ssyncadd.remote.s32 $0x1  }
0xbe: {  	_ =	sfence.sel $0xFFFF  }
0xbf: {  	[dreg:$0x0] =	wrdreg $0xFFFFFFFF;
	(pc) =	sbr.abs _section_cstart, $3  }
0xc0: {  	[dreg:$0x1] =	wrdreg $0xFFFFFFFF  }
0xc1: {  	_ =	task.clear_ibuf [dreg:s7], $0x2FFFF;
	_ =	strace $0x9FFFFFFF  }
0xc2: {  	(tm) =	ssettm $0x7FFFFFFF  }
0xc3: {  	_ =	shalt  }
tec
execute0_lowered:
.L_overlay_start_1:
0x0: {  	(tag) =	ssettag $0x1  }
0x1: {  	s0 =	srdreg.scid  }
0x2: {  	s2 =	rddreg [dreg:$0x0];
	s4 =	stileid.u32;
	s0 =	sand.u32 $0x1, s0  }
0x3: {  	s3 =	rddreg [dreg:$0x1];
	s4 =	sshll.u32 s4, $0x6;
	s1 =	sshll.u32 s0, $0xA  }
0x4: {  	s0 =	ssub.s32 $0x2, s0;
	s1 =	sor.u32 s4, s1;
	s4 =	simm.s32 $0x0  }
0x5: {  	s6 =	sshrl.u32 s0, $0x1;
	s5 =	sxor.u32 $0x7C0, s1;
	[smem:$0x7FF] =	sst s4  }
0x6: {  	s0 =	ssub.s32 s0, s6;
	s23 =	ssub.s32 $0x840, s1;
	s24 =	ssub.s32 $0x8C0, s1  }
0x7: {  	s8 =	ssub.s32 $0x940, s1;
	s7 =	sshrl.u32 s5, $0x3;
	s0 =	smax.u32 s0, $0x1  }
0x8: {  	_ =	strace $0x80000047;
	s11 =	sadd.s32 s2, s7;
	[dreg:$0x4] =	wrdreg s0  }
0x9: {  	s6 =	sshrl.u32 s23, $0x3;
	s25 =	sadd.s32 $0x1008, s11;
	[dreg:$0x3] =	wrdreg s11  }
0xa: {  	s9 =	sshrl.u32 s24, $0x3;
	s26 =	sadd.s32 $0x2010, s11;
	[dreg:$0x5] =	wrdreg s25  }
0xb: {  	s10 =	sshrl.u32 s8, $0x3;
	s28 =	sadd.s32 $0x3018, s11;
	[dreg:$0x6] =	wrdreg s26  }
0xc: {  	s7 =	sadd.s32 s2, s6;
	s29 =	sadd.s32 $0x4020, s11;
	[dreg:$0x7] =	wrdreg s28  }
0xd: {  	s8 =	sadd.s32 s2, s9;
	s30 =	sadd.s32 $0x5028, s11;
	[dreg:$0x8] =	wrdreg s29  }
0xe: {  	s9 =	sadd.s32 s2, s10;
	s31 =	sadd.s32 $0x6030, s11;
	[dreg:$0x9] =	wrdreg s30  }
0xf: {  	s10 =	sor.u32 $0x7, s1;
	s1 =	sadd.s32 $0x7038, s11;
	[dreg:$0xa] =	wrdreg s31  }
0x10: {  	s6 =	sadd.s32 $0x1008, s7;
	[dreg:$0xb] =	wrdreg s1  }
0x11: {  	s11 =	sadd.s32 $0x2010, s7;
	[dreg:$0xc] =	wrdreg s6  }
0x12: {  	s12 =	sadd.s32 $0x3018, s7;
	[dreg:$0xd] =	wrdreg s11  }
0x13: {  	s13 =	sadd.s32 $0x4020, s7;
	[dreg:$0xe] =	wrdreg s12  }
0x14: {  	s14 =	sadd.s32 $0x5028, s7;
	[dreg:$0xf] =	wrdreg s13  }
0x15: {  	s15 =	sadd.s32 $0x6030, s7;
	[dreg:$0x10] =	wrdreg s14  }
0x16: {  	s16 =	sadd.s32 $0x7038, s7;
	[dreg:$0x11] =	wrdreg s15  }
0x17: {  	s17 =	sadd.s32 $0x1008, s8;
	[dreg:$0x12] =	wrdreg s16  }
0x18: {  	s18 =	sadd.s32 $0x2010, s8;
	[dreg:$0x13] =	wrdreg s17  }
0x19: {  	s19 =	sadd.s32 $0x3018, s8;
	[dreg:$0x14] =	wrdreg s18  }
0x1a: {  	s20 =	sadd.s32 $0x4020, s8;
	[dreg:$0x15] =	wrdreg s19  }
0x1b: {  	s21 =	sadd.s32 $0x5028, s8;
	[dreg:$0x16] =	wrdreg s20  }
0x1c: {  	s22 =	sadd.s32 $0x6030, s8;
	[dreg:$0x17] =	wrdreg s21  }
0x1d: {  	s23 =	sadd.s32 $0x7038, s8;
	[dreg:$0x18] =	wrdreg s22  }
0x1e: {  	s24 =	sadd.s32 $0x1008, s9;
	[dreg:$0x19] =	wrdreg s23  }
0x1f: {  	[dreg:$0x1a] =	wrdreg s24;
	s25 =	sadd.s32 $0x2010, s9  }
0x20: {  	s26 =	sadd.s32 $0x3018, s9;
	[dreg:$0x1b] =	wrdreg s25  }
0x21: {  	s28 =	sadd.s32 $0x4020, s9;
	[dreg:$0x1c] =	wrdreg s26  }
0x22: {  	s29 =	sadd.s32 $0x5028, s9;
	s30 =	sadd.s32 $0x6030, s9;
	[dreg:$0x1d] =	wrdreg s28  }
0x23: {  	s31 =	sadd.s32 $0x7038, s9;
	s18 =	simm.s32 $0xB8;
	[dreg:$0x1e] =	wrdreg s29  }
0x24: {  	s19 =	simm.s32 $0x1008;
	s20 =	simm.s32 $0x1;
	[dreg:$0x1f] =	wrdreg s30  }
0x25: {  	s21 =	simm.s32 $0x2;
	s22 =	simm.s32 $0x0;
	[smem:$0x7FD] =	sst s31  }
.LBB2_1:
0x26: {  	s0 =	rddreg [dreg:$0x3]  }
0x27: {  	[tilespmem:s4], [sflag:$0x1] =	stream.strided.gather [hbm4b:s0+s18], $0x5C0, s19, s18, $0x38;
	[tilespmem:$0x17000] =	vst v63  }
0x28: {  	s24 =	rddreg [dreg:$0x5];
	s1 =	simm.s32 $0x1700  }
0x29: {  	[tilespmem:s1], [sflag:$0x1] =	stream.strided.gather [hbm4b:s24+s18], $0x5C0, s19, s18, $0x38;
	[tilespmem:$0x17000] =	vst v63  }
0x2a: {  	s25 =	rddreg [dreg:$0x6];
	s26 =	simm.s32 $0x2E00  }
0x2b: {  	[tilespmem:s26], [sflag:$0x1] =	stream.strided.gather [hbm4b:s25+s18], $0x5C0, s19, s18, $0x38;
	[tilespmem:$0x17000] =	vst v63  }
0x2c: {  	s28 =	rddreg [dreg:$0x7];
	s29 =	simm.s32 $0x4500  }
0x2d: {  	[tilespmem:s29], [sflag:$0x1] =	stream.strided.gather [hbm4b:s28+s18], $0x5C0, s19, s18, $0x38;
	[tilespmem:$0x17000] =	vst v63  }
0x2e: {  	s30 =	rddreg [dreg:$0x8];
	s31 =	simm.s32 $0x5C00  }
0x2f: {  	[tilespmem:s31], [sflag:$0x1] =	stream.strided.gather [hbm4b:s30+s18], $0x5C0, s19, s18, $0x38;
	[tilespmem:$0x17000] =	vst v63  }
0x30: {  	s6 =	simm.s32 $0x7300;
	s1 =	rddreg [dreg:$0x9]  }
0x31: {  	[tilespmem:s6], [sflag:$0x1] =	stream.strided.gather [hbm4b:s1+s18], $0x5C0, s19, s18, $0x38;
	[tilespmem:$0x17000] =	vst v63  }
0x32: {  	s11 =	rddreg [dreg:$0xa];
	s12 =	simm.s32 $0x8A00  }
0x33: {  	[tilespmem:s12], [sflag:$0x1] =	stream.strided.gather [hbm4b:s11+s18], $0x5C0, s19, s18, $0x38;
	[tilespmem:$0x17000] =	vst v63  }
0x34: {  	s13 =	rddreg [dreg:$0xb];
	s14 =	simm.s32 $0xA100  }
0x35: {  	[tilespmem:s14], [sflag:$0x1] =	stream.strided.gather [hbm4b:s13+s18], $0x5C0, s19, s18, $0x38;
	[tilespmem:$0x17000] =	vst v63  }
0x36: {  	s15 =	simm.s32 $0x5C0  }
0x37: {  	[tilespmem:s15], [sflag:$0x1] =	stream.strided.gather [hbm4b:s7+s18], $0x5C0, s19, s18, $0x38;
	[tilespmem:$0x17000] =	vst v63  }
0x38: {  	s16 =	rddreg [dreg:$0xc];
	s17 =	simm.s32 $0x1CC0  }
0x39: {  	[tilespmem:s17], [sflag:$0x1] =	stream.strided.gather [hbm4b:s16+s18], $0x5C0, s19, s18, $0x38;
	[tilespmem:$0x17000] =	vst v63  }
0x3a: {  	s23 =	rddreg [dreg:$0xd];
	s24 =	simm.s32 $0x33C0  }
0x3b: {  	[tilespmem:s24], [sflag:$0x1] =	stream.strided.gather [hbm4b:s23+s18], $0x5C0, s19, s18, $0x38;
	[tilespmem:$0x17000] =	vst v63  }
0x3c: {  	s25 =	rddreg [dreg:$0xe];
	s26 =	simm.s32 $0x4AC0  }
0x3d: {  	[tilespmem:s26], [sflag:$0x1] =	stream.strided.gather [hbm4b:s25+s18], $0x5C0, s19, s18, $0x38;
	[tilespmem:$0x17000] =	vst v63  }
0x3e: {  	s28 =	rddreg [dreg:$0xf];
	s29 =	simm.s32 $0x61C0  }
0x3f: {  	[tilespmem:s29], [sflag:$0x1] =	stream.strided.gather [hbm4b:s28+s18], $0x5C0, s19, s18, $0x38;
	[tilespmem:$0x17000] =	vst v63  }
0x40: {  	s30 =	rddreg [dreg:$0x10];
	s31 =	simm.s32 $0x78C0  }
0x41: {  	[tilespmem:s31], [sflag:$0x1] =	stream.strided.gather [hbm4b:s30+s18], $0x5C0, s19, s18, $0x38;
	[tilespmem:$0x17000] =	vst v63  }
0x42: {  	s1 =	rddreg [dreg:$0x11];
	s6 =	simm.s32 $0x8FC0  }
0x43: {  	[tilespmem:s6], [sflag:$0x1] =	stream.strided.gather [hbm4b:s1+s18], $0x5C0, s19, s18, $0x38;
	[tilespmem:$0x17000] =	vst v63  }
0x44: {  	s11 =	rddreg [dreg:$0x12];
	s12 =	simm.s32 $0xA6C0  }
0x45: {  	[tilespmem:s12], [sflag:$0x1] =	stream.strided.gather [hbm4b:s11+s18], $0x5C0, s19, s18, $0x38;
	[tilespmem:$0x17000] =	vst v63  }
0x46: {  	s13 =	simm.s32 $0xB80  }
0x47: {  	[tilespmem:s13], [sflag:$0x1] =	stream.strided.gather [hbm4b:s8+s18], $0x5C0, s19, s18, $0x38;
	[tilespmem:$0x17000] =	vst v63  }
0x48: {  	s14 =	rddreg [dreg:$0x13];
	s15 =	simm.s32 $0x2280  }
0x49: {  	[tilespmem:s15], [sflag:$0x1] =	stream.strided.gather [hbm4b:s14+s18], $0x5C0, s19, s18, $0x38;
	[tilespmem:$0x17000] =	vst v63  }
0x4a: {  	s16 =	rddreg [dreg:$0x14];
	s17 =	simm.s32 $0x3980  }
0x4b: {  	[tilespmem:s17], [sflag:$0x1] =	stream.strided.gather [hbm4b:s16+s18], $0x5C0, s19, s18, $0x38;
	[tilespmem:$0x17000] =	vst v63  }
0x4c: {  	s23 =	rddreg [dreg:$0x15];
	s24 =	simm.s32 $0x5080  }
0x4d: {  	[tilespmem:s24], [sflag:$0x1] =	stream.strided.gather [hbm4b:s23+s18], $0x5C0, s19, s18, $0x38;
	[tilespmem:$0x17000] =	vst v63  }
0x4e: {  	s25 =	rddreg [dreg:$0x16];
	s26 =	simm.s32 $0x6780  }
0x4f: {  	[tilespmem:s26], [sflag:$0x1] =	stream.strided.gather [hbm4b:s25+s18], $0x5C0, s19, s18, $0x38;
	[tilespmem:$0x17000] =	vst v63  }
0x50: {  	s28 =	rddreg [dreg:$0x17];
	s29 =	simm.s32 $0x7E80  }
0x51: {  	[tilespmem:s29], [sflag:$0x1] =	stream.strided.gather [hbm4b:s28+s18], $0x5C0, s19, s18, $0x38;
	[tilespmem:$0x17000] =	vst v63  }
0x52: {  	s30 =	rddreg [dreg:$0x18];
	s31 =	simm.s32 $0x9580  }
0x53: {  	[tilespmem:s31], [sflag:$0x1] =	stream.strided.gather [hbm4b:s30+s18], $0x5C0, s19, s18, $0x38;
	[tilespmem:$0x17000] =	vst v63  }
0x54: {  	s1 =	rddreg [dreg:$0x19];
	s6 =	simm.s32 $0xAC80  }
0x55: {  	[tilespmem:s6], [sflag:$0x1] =	stream.strided.gather [hbm4b:s1+s18], $0x5C0, s19, s18, $0x38;
	[tilespmem:$0x17000] =	vst v63  }
0x56: {  	s11 =	simm.s32 $0x1140;
	s12 =	rddreg [dreg:$0x1a]  }
0x57: {  	[tilespmem:s11], [sflag:$0x1] =	stream.strided.gather [hbm4b:s9+s18], $0x5C0, s19, s18, $0x38;
	[tilespmem:$0x17000] =	vst v63  }
0x58: {  	s13 =	simm.s32 $0x2840;
	s14 =	rddreg [dreg:$0x1b]  }
0x59: {  	[tilespmem:s13], [sflag:$0x1] =	stream.strided.gather [hbm4b:s12+s18], $0x5C0, s19, s18, $0x38;
	[tilespmem:$0x17000] =	vst v63  }
0x5a: {  	s15 =	simm.s32 $0x3F40;
	s16 =	rddreg [dreg:$0x1c]  }
0x5b: {  	[tilespmem:s15], [sflag:$0x1] =	stream.strided.gather [hbm4b:s14+s18], $0x5C0, s19, s18, $0x38;
	[tilespmem:$0x17000] =	vst v63  }
0x5c: {  	s17 =	simm.s32 $0x5640;
	s23 =	rddreg [dreg:$0x1d]  }
0x5d: {  	[tilespmem:s17], [sflag:$0x1] =	stream.strided.gather [hbm4b:s16+s18], $0x5C0, s19, s18, $0x38;
	[tilespmem:$0x17000] =	vst v63  }
0x5e: {  	s24 =	simm.s32 $0x6D40;
	s25 =	rddreg [dreg:$0x1e]  }
0x5f: {  	[tilespmem:s24], [sflag:$0x1] =	stream.strided.gather [hbm4b:s23+s18], $0x5C0, s19, s18, $0x38;
	[tilespmem:$0x17000] =	vst v63  }
0x60: {  	s26 =	simm.s32 $0x8440;
	s28 =	rddreg [dreg:$0x1f]  }
0x61: {  	[tilespmem:s26], [sflag:$0x1] =	stream.strided.gather [hbm4b:s25+s18], $0x5C0, s19, s18, $0x38;
	[tilespmem:$0x17000] =	vst v63  }
0x62: {  	s29 =	simm.s32 $0x9B40;
	s30 =	sld [smem:$0x7FD]  }
0x63: {  	[tilespmem:s29], [sflag:$0x1] =	stream.strided.gather [hbm4b:s28+s18], $0x5C0, s19, s18, $0x38;
	[tilespmem:$0x17000] =	vst v63  }
0x64: {  	p0 =	por $0x0, $0x0;
	s31 =	simm.s32 $0xB240;
	s23 =	simm.s32 $0x0  }
0x65: {  	[tilespmem:s31], [sflag:$0x1] =	stream.strided.gather [hbm4b:s30+s18], $0x5C0, s19, s18, $0x38;
	[tilespmem:$0x17000] =	vst v63  }
.LBB2_2:
0x66: {  	p1 =	seq.s32 s23, $0x0  }
0x67: {  	s0 =	simm.s32 @!p1 $0x2  }
0x68: {  	_ =	swait.ge @!p1 [sflag:s0], $0x8000  }
0x69: {  	[sflag:s0] =	ssyncset.done @!p1 $0x0  }
0x6a: {  	[sflag:s0] =	ssyncadd.s32 @!p1 $0xFFFF8000  }
0x6b: {  	_ =	swait.ge @!p1 [sflag:s0], $0x8000  }
0x6c: {  	[sflag:s0] =	ssyncset.done @!p1 $0x0  }
0x6d: {  	[sflag:s0] =	ssyncadd.s32 @!p1 $0xFFFF8000  }
0x6e: {  	_ =	swait.ge @!p1 [sflag:s0], $0x8000  }
0x6f: {  	[sflag:s0] =	ssyncset.done @!p1 $0x0  }
0x70: {  	[sflag:s0] =	ssyncadd.s32 @!p1 $0xFFFF8000  }
0x71: {  	_ =	swait.ge @!p1 [sflag:s0], $0x8000  }
0x72: {  	[sflag:s0] =	ssyncset.done @!p1 $0x0  }
0x73: {  	[sflag:s0] =	ssyncadd.s32 @!p1 $0xFFFF8000  }
0x74: {  	_ =	swait.ge @!p1 [sflag:s0], $0x8000  }
0x75: {  	[sflag:s0] =	ssyncset.done @!p1 $0x0  }
0x76: {  	[sflag:s0] =	ssyncadd.s32 @!p1 $0xFFFF8000  }
0x77: {  	_ =	swait.ge @!p1 [sflag:s0], $0x8000  }
0x78: {  	[sflag:s0] =	ssyncset.done @!p1 $0x0  }
0x79: {  	p2 =	seq.s32 @!p1 s23, $0x1F;
	[sflag:s0] =	ssyncadd.s32 @!p1 $0xFFFF8000  }
0x7a: {  	p2 =	por p1, !p2;
	_ =	swait.ge @!p1 [sflag:s0], $0x8000  }
.Ltmp0:
0x7b: {  	[sflag:s0] =	ssyncset.done @!p1 $0x0;
	(pc) =	sbr.rel @!p2 .LBB2_4-.Ltmp0, $4  }
0x7c: {  	[sflag:s0] =	ssyncadd.s32 @!p1 $0xFFFF8000  }
0x7d: {  	_ =	swait.ge @!p1 [sflag:s0], $0x8000  }
0x7e: {  	[sflag:s0] =	ssyncset.done @!p1 $0x0  }
0x7f: {  	[sflag:s0] =	ssyncadd.s32 @!p1 $0xFFFF8000  }
0x80: {  	s0 =	sadd.s32 $0x1, s23  }
0x81: {  	s1 =	sand.u32 $0x7, s0;
	s0 =	sshll.u32 s0, $0x6  }
0x82: {  	s6 =	sand.u32 $0x1, s23;
	s0 =	sand.u32 $0xE00, s0;
	s1 =	smul.u32 $0x40200, s1  }
0x83: {  	s6 =	sxor.u32 $0x1, s6;
	s0 =	sadd.s32 s5, s0  }
0x84: {  	s6 =	smul.u32 $0x2E000, s6;
	s0 =	sadd.s32 s1, s0  }
0x85: {  	s1 =	sshrl.u32 s0, $0x3  }
0x86: {  	s0 =	sshrl.u32 s6, $0x2;
	s1 =	sadd.s32 s2, s1  }
0x87: {  	[tilespmem:s0], [sflag:$0x1] =	stream.strided.gather [hbm4b:s1+s18], $0x5C0, s19, s18, $0x38;
	[tilespmem:$0x17000] =	vst v63  }
0x88: {  	s11 =	sadd.s32 $0x1700, s0;
	s29 =	sadd.s32 $0x1008, s1  }
0x89: {  	[tilespmem:s11], [sflag:$0x1] =	stream.strided.gather [hbm4b:s29+s18], $0x5C0, s19, s18, $0x38;
	[tilespmem:$0x17000] =	vst v63  }
0x8a: {  	s31 =	sadd.s32 $0x2E00, s0;
	s30 =	sadd.s32 $0x2010, s1  }
0x8b: {  	[tilespmem:s31], [sflag:$0x1] =	stream.strided.gather [hbm4b:s30+s18], $0x5C0, s19, s18, $0x38;
	[tilespmem:$0x17000] =	vst v63  }
0x8c: {  	s12 =	sadd.s32 $0x4500, s0;
	s11 =	sadd.s32 $0x3018, s1  }
0x8d: {  	[tilespmem:s12], [sflag:$0x1] =	stream.strided.gather [hbm4b:s11+s18], $0x5C0, s19, s18, $0x38;
	[tilespmem:$0x17000] =	vst v63  }
0x8e: {  	s14 =	sadd.s32 $0x5C00, s0;
	s13 =	sadd.s32 $0x4020, s1  }
0x8f: {  	[tilespmem:s14], [sflag:$0x1] =	stream.strided.gather [hbm4b:s13+s18], $0x5C0, s19, s18, $0x38;
	[tilespmem:$0x17000] =	vst v63  }
0x90: {  	s16 =	sadd.s32 $0x7300, s0;
	s15 =	sadd.s32 $0x5028, s1  }
0x91: {  	[tilespmem:s16], [sflag:$0x1] =	stream.strided.gather [hbm4b:s15+s18], $0x5C0, s19, s18, $0x38;
	[tilespmem:$0x17000] =	vst v63  }
0x92: {  	s24 =	sadd.s32 $0x8A00, s0;
	s17 =	sadd.s32 $0x6030, s1  }
0x93: {  	[tilespmem:s24], [sflag:$0x1] =	stream.strided.gather [hbm4b:s17+s18], $0x5C0, s19, s18, $0x38;
	[tilespmem:$0x17000] =	vst v63  }
0x94: {  	s26 =	sadd.s32 $0xA100, s0;
	s25 =	sadd.s32 $0x7038, s1  }
0x95: {  	[tilespmem:s26], [sflag:$0x1] =	stream.strided.gather [hbm4b:s25+s18], $0x5C0, s19, s18, $0x38;
	[tilespmem:$0x17000] =	vst v63  }
0x96: {  	s28 =	sor.u32 $0x5C0, s0;
	s29 =	sadd.s32 $0x10, s1  }
0x97: {  	[tilespmem:s28], [sflag:$0x1] =	stream.strided.gather [hbm4b:s29+s18], $0x5C0, s19, s18, $0x38;
	[tilespmem:$0x17000] =	vst v63  }
0x98: {  	s30 =	sadd.s32 $0x1018, s1;
	s31 =	sadd.s32 $0x1CC0, s0  }
0x99: {  	[tilespmem:s31], [sflag:$0x1] =	stream.strided.gather [hbm4b:s30+s18], $0x5C0, s19, s18, $0x38;
	[tilespmem:$0x17000] =	vst v63  }
0x9a: {  	s11 =	sadd.s32 $0x2020, s1;
	s12 =	sadd.s32 $0x33C0, s0  }
0x9b: {  	[tilespmem:s12], [sflag:$0x1] =	stream.strided.gather [hbm4b:s11+s18], $0x5C0, s19, s18, $0x38;
	[tilespmem:$0x17000] =	vst v63  }
0x9c: {  	s13 =	sadd.s32 $0x3028, s1;
	s14 =	sadd.s32 $0x4AC0, s0  }
0x9d: {  	[tilespmem:s14], [sflag:$0x1] =	stream.strided.gather [hbm4b:s13+s18], $0x5C0, s19, s18, $0x38;
	[tilespmem:$0x17000] =	vst v63  }
0x9e: {  	s15 =	sadd.s32 $0x4030, s1;
	s16 =	sadd.s32 $0x61C0, s0  }
0x9f: {  	[tilespmem:s16], [sflag:$0x1] =	stream.strided.gather [hbm4b:s15+s18], $0x5C0, s19, s18, $0x38;
	[tilespmem:$0x17000] =	vst v63  }
0xa0: {  	s17 =	sadd.s32 $0x5038, s1;
	s24 =	sadd.s32 $0x78C0, s0  }
0xa1: {  	[tilespmem:s24], [sflag:$0x1] =	stream.strided.gather [hbm4b:s17+s18], $0x5C0, s19, s18, $0x38;
	[tilespmem:$0x17000] =	vst v63  }
0xa2: {  	s25 =	sadd.s32 $0x6040, s1;
	s26 =	sadd.s32 $0x8FC0, s0  }
0xa3: {  	[tilespmem:s26], [sflag:$0x1] =	stream.strided.gather [hbm4b:s25+s18], $0x5C0, s19, s18, $0x38;
	[tilespmem:$0x17000] =	vst v63  }
0xa4: {  	s28 =	sadd.s32 $0x7048, s1;
	s29 =	sadd.s32 $0xA6C0, s0  }
0xa5: {  	[tilespmem:s29], [sflag:$0x1] =	stream.strided.gather [hbm4b:s28+s18], $0x5C0, s19, s18, $0x38;
	[tilespmem:$0x17000] =	vst v63  }
0xa6: {  	s30 =	sadd.s32 $0xB80, s0;
	s31 =	sadd.s32 $0x20, s1  }
0xa7: {  	[tilespmem:s30], [sflag:$0x1] =	stream.strided.gather [hbm4b:s31+s18], $0x5C0, s19, s18, $0x38;
	[tilespmem:$0x17000] =	vst v63  }
0xa8: {  	s11 =	sadd.s32 $0x1028, s1;
	s12 =	sadd.s32 $0x2280, s0  }
0xa9: {  	[tilespmem:s12], [sflag:$0x1] =	stream.strided.gather [hbm4b:s11+s18], $0x5C0, s19, s18, $0x38;
	[tilespmem:$0x17000] =	vst v63  }
0xaa: {  	s13 =	sadd.s32 $0x2030, s1;
	s14 =	sadd.s32 $0x3980, s0  }
0xab: {  	[tilespmem:s14], [sflag:$0x1] =	stream.strided.gather [hbm4b:s13+s18], $0x5C0, s19, s18, $0x38;
	[tilespmem:$0x17000] =	vst v63  }
0xac: {  	s15 =	sadd.s32 $0x3038, s1;
	s16 =	sadd.s32 $0x5080, s0  }
0xad: {  	[tilespmem:s16], [sflag:$0x1] =	stream.strided.gather [hbm4b:s15+s18], $0x5C0, s19, s18, $0x38;
	[tilespmem:$0x17000] =	vst v63  }
0xae: {  	s17 =	sadd.s32 $0x4040, s1;
	s24 =	sadd.s32 $0x6780, s0  }
0xaf: {  	[tilespmem:s24], [sflag:$0x1] =	stream.strided.gather [hbm4b:s17+s18], $0x5C0, s19, s18, $0x38;
	[tilespmem:$0x17000] =	vst v63  }
0xb0: {  	s25 =	sadd.s32 $0x5048, s1;
	s26 =	sadd.s32 $0x7E80, s0  }
0xb1: {  	[tilespmem:s26], [sflag:$0x1] =	stream.strided.gather [hbm4b:s25+s18], $0x5C0, s19, s18, $0x38;
	[tilespmem:$0x17000] =	vst v63  }
0xb2: {  	s28 =	sadd.s32 $0x6050, s1;
	s29 =	sadd.s32 $0x9580, s0  }
0xb3: {  	[tilespmem:s29], [sflag:$0x1] =	stream.strided.gather [hbm4b:s28+s18], $0x5C0, s19, s18, $0x38;
	[tilespmem:$0x17000] =	vst v63  }
0xb4: {  	s30 =	sadd.s32 $0x7058, s1;
	s31 =	sadd.s32 $0xAC80, s0  }
0xb5: {  	[tilespmem:s31], [sflag:$0x1] =	stream.strided.gather [hbm4b:s30+s18], $0x5C0, s19, s18, $0x38;
	[tilespmem:$0x17000] =	vst v63  }
0xb6: {  	s11 =	sadd.s32 $0x1140, s0;
	s12 =	sadd.s32 $0x30, s1  }
0xb7: {  	[tilespmem:s11], [sflag:$0x1] =	stream.strided.gather [hbm4b:s12+s18], $0x5C0, s19, s18, $0x38;
	[tilespmem:$0x17000] =	vst v63  }
0xb8: {  	s13 =	sadd.s32 $0x1038, s1;
	s14 =	sadd.s32 $0x2840, s0  }
0xb9: {  	[tilespmem:s14], [sflag:$0x1] =	stream.strided.gather [hbm4b:s13+s18], $0x5C0, s19, s18, $0x38;
	[tilespmem:$0x17000] =	vst v63  }
0xba: {  	s15 =	sadd.s32 $0x2040, s1;
	s16 =	sadd.s32 $0x3F40, s0  }
0xbb: {  	[tilespmem:s16], [sflag:$0x1] =	stream.strided.gather [hbm4b:s15+s18], $0x5C0, s19, s18, $0x38;
	[tilespmem:$0x17000] =	vst v63  }
0xbc: {  	s17 =	sadd.s32 $0x3048, s1;
	s24 =	sadd.s32 $0x5640, s0  }
0xbd: {  	[tilespmem:s24], [sflag:$0x1] =	stream.strided.gather [hbm4b:s17+s18], $0x5C0, s19, s18, $0x38;
	[tilespmem:$0x17000] =	vst v63  }
0xbe: {  	s25 =	sadd.s32 $0x4050, s1;
	s26 =	sadd.s32 $0x6D40, s0  }
0xbf: {  	[tilespmem:s26], [sflag:$0x1] =	stream.strided.gather [hbm4b:s25+s18], $0x5C0, s19, s18, $0x38;
	[tilespmem:$0x17000] =	vst v63  }
0xc0: {  	s28 =	sadd.s32 $0x5058, s1;
	s29 =	sadd.s32 $0x8440, s0  }
0xc1: {  	[tilespmem:s29], [sflag:$0x1] =	stream.strided.gather [hbm4b:s28+s18], $0x5C0, s19, s18, $0x38;
	[tilespmem:$0x17000] =	vst v63  }
0xc2: {  	s30 =	sadd.s32 $0x6060, s1;
	s31 =	sadd.s32 $0x9B40, s0  }
0xc3: {  	[tilespmem:s31], [sflag:$0x1] =	stream.strided.gather [hbm4b:s30+s18], $0x5C0, s19, s18, $0x38;
	[tilespmem:$0x17000] =	vst v63  }
0xc4: {  	s1 =	sadd.s32 $0x7068, s1;
	s0 =	sadd.s32 $0xB240, s0  }
0xc5: {  	[tilespmem:s0], [sflag:$0x1] =	stream.strided.gather [hbm4b:s1+s18], $0x5C0, s19, s18, $0x38;
	[tilespmem:$0x17000] =	vst v63  }
.LBB2_4:
0xc6: {  	_ =	swait.ge [sflag:s20], $0x2E00  }
0xc7: {  	[sflag:s20] =	ssyncset.done $0x0  }
0xc8: {  	s0 =	simm.s32 $0x1;
	[sflag:s20] =	ssyncadd.s32 $0xFFFFD200  }
0xc9: {  	s0 =	simm.s32 @!p0 $0x0;
	_ =	swait.ge [sflag:s20], $0x2E00  }
0xca: {  	s0 =	smul.u32 $0x2E000, s0;
	[sflag:s20] =	ssyncset.done $0x0  }
0xcb: {  	s31 =	sand.u32 $0x7, s23;
	s6 =	sshll.u32 s23, $0x9;
	[sflag:s20] =	ssyncadd.s32 $0xFFFFD200  }
0xcc: {  	s12 =	simm.s32 $0x0;
	s0 =	sshrl.u32 s0, $0x2;
	_ =	swait.ge [sflag:s20], $0x2E00  }
0xcd: {  	s11 =	sand.u32 $0x3000, s6;
	s24 =	sadd.s32 $0xA138, s0;
	[sflag:s20] =	ssyncset.done $0x0  }
0xce: {  	s25 =	sadd.s32 $0x8A38, s0;
	s26 =	sadd.s32 $0x7338, s0;
	[sflag:s20] =	ssyncadd.s32 $0xFFFFD200  }
0xcf: {  	s28 =	sadd.s32 $0x5C38, s0;
	s29 =	sadd.s32 $0x4538, s0;
	_ =	swait.ge [sflag:s20], $0x2E00  }
0xd0: {  	s30 =	sadd.s32 $0x2E38, s0;
	s17 =	sadd.s32 $0x1738, s0;
	[sflag:s20] =	ssyncset.done $0x0  }
0xd1: {  	s1 =	sor.u32 $0x38, s0;
	s0 =	ssub.s32 s10, s31;
	[sflag:s20] =	ssyncadd.s32 $0xFFFFD200  }
.LBB2_5:
0xd2: {  	s6 =	sshll.u32 s12, $0x3  }
0xd3: {  	s6 =	sadd.s32 s6, s0  }
0xd4: {  	s6 =	sshll.u32 s6, $0x11  }
0xd5: {  	s6 =	sor.u32 s11, s6  }
0xd6: {  	s6 =	sshrl.u32 s6, $0x3  }
0xd7: {  	s14 =	simm.s32 $0x10;
	s13 =	sadd.s32 s3, s6  }
0xd8: {  	s15 =	sadd.s32 $0xB8, s1;
	s16 =	smov.u32 s1;
	s31 =	sadd.s32 $0x0, s13  }
.LBB2_6:
0xd9: {  	[hbm4b:s31+s4] =	stream.linear.scatter [tilespmem:s16], [sflag:$0x2], $0x80, $0x38;
	[tilespmem:$0x17000] =	vst v63  }
0xda: {  	s6 =	smov.u32 s14;
	s16 =	smov.u32 s15;
	p1 =	sne.s32 s14, $0x1F0  }
.Ltmp1:
0xdb: {  	s14 =	sadd.s32 $0x10, s14;
	(pc) =	sbr.rel @p1 .LBB2_6-.Ltmp1, $2  }
0xdc: {  	_ =	sdelay $0x2  }
0xdd: {  	s15 =	sadd.s32 $0xB8, s15;
	s31 =	sadd.s32 s6, s13  }
0xde: {  	[hbm4b:s31+s4] =	stream.linear.scatter [tilespmem:s16], [sflag:$0x2], $0x80, $0x38;
	[tilespmem:$0x17000] =	vst v63  }
0xdf: {  	s14 =	sadd.s32 $0x800, s13;
	s15 =	simm.s32 $0x10  }
0xe0: {  	s16 =	sadd.s32 $0xB8, s17;
	s31 =	smov.u32 s17;
	s6 =	sadd.s32 $0x0, s14  }
.LBB2_8:
0xe1: {  	[hbm4b:s6+s4] =	stream.linear.scatter [tilespmem:s31], [sflag:$0x2], $0x80, $0x38;
	[tilespmem:$0x17000] =	vst v63  }
0xe2: {  	s6 =	smov.u32 s15;
	s31 =	smov.u32 s16;
	p1 =	sne.s32 s15, $0x1F0  }
.Ltmp2:
0xe3: {  	s15 =	sadd.s32 $0x10, s15;
	(pc) =	sbr.rel @p1 .LBB2_8-.Ltmp2, $2  }
0xe4: {  	_ =	sdelay $0x2  }
0xe5: {  	s16 =	sadd.s32 $0xB8, s16;
	s6 =	sadd.s32 s6, s14  }
0xe6: {  	[hbm4b:s6+s4] =	stream.linear.scatter [tilespmem:s31], [sflag:$0x2], $0x80, $0x38;
	[tilespmem:$0x17000] =	vst v63  }
0xe7: {  	s14 =	sadd.s32 $0x1000, s13;
	s15 =	simm.s32 $0x10  }
0xe8: {  	s16 =	sadd.s32 $0xB8, s30;
	s31 =	smov.u32 s30;
	s6 =	sadd.s32 $0x0, s14  }
.LBB2_10:
0xe9: {  	[hbm4b:s6+s4] =	stream.linear.scatter [tilespmem:s31], [sflag:$0x2], $0x80, $0x38;
	[tilespmem:$0x17000] =	vst v63  }
0xea: {  	s6 =	smov.u32 s15;
	s31 =	smov.u32 s16;
	p1 =	sne.s32 s15, $0x1F0  }
.Ltmp3:
0xeb: {  	s15 =	sadd.s32 $0x10, s15;
	(pc) =	sbr.rel @p1 .LBB2_10-.Ltmp3, $2  }
0xec: {  	_ =	sdelay $0x2  }
0xed: {  	s16 =	sadd.s32 $0xB8, s16;
	s6 =	sadd.s32 s6, s14  }
0xee: {  	[hbm4b:s6+s4] =	stream.linear.scatter [tilespmem:s31], [sflag:$0x2], $0x80, $0x38;
	[tilespmem:$0x17000] =	vst v63  }
0xef: {  	s14 =	sadd.s32 $0x1800, s13;
	s15 =	simm.s32 $0x10  }
0xf0: {  	s16 =	sadd.s32 $0xB8, s29;
	s31 =	smov.u32 s29;
	s6 =	sadd.s32 $0x0, s14  }
.LBB2_12:
0xf1: {  	[hbm4b:s6+s4] =	stream.linear.scatter [tilespmem:s31], [sflag:$0x2], $0x80, $0x38;
	[tilespmem:$0x17000] =	vst v63  }
0xf2: {  	s6 =	smov.u32 s15;
	s31 =	smov.u32 s16;
	p1 =	sne.s32 s15, $0x1F0  }
.Ltmp4:
0xf3: {  	s15 =	sadd.s32 $0x10, s15;
	(pc) =	sbr.rel @p1 .LBB2_12-.Ltmp4, $2  }
0xf4: {  	_ =	sdelay $0x2  }
0xf5: {  	s16 =	sadd.s32 $0xB8, s16;
	s6 =	sadd.s32 s6, s14  }
0xf6: {  	[hbm4b:s6+s4] =	stream.linear.scatter [tilespmem:s31], [sflag:$0x2], $0x80, $0x38;
	[tilespmem:$0x17000] =	vst v63  }
0xf7: {  	s14 =	sadd.s32 $0x2000, s13;
	s15 =	simm.s32 $0x10  }
0xf8: {  	s16 =	sadd.s32 $0xB8, s28;
	s31 =	smov.u32 s28;
	s6 =	sadd.s32 $0x0, s14  }
.LBB2_14:
0xf9: {  	[hbm4b:s6+s4] =	stream.linear.scatter [tilespmem:s31], [sflag:$0x2], $0x80, $0x38;
	[tilespmem:$0x17000] =	vst v63  }
0xfa: {  	s6 =	smov.u32 s15;
	s31 =	smov.u32 s16;
	p1 =	sne.s32 s15, $0x1F0  }
.Ltmp5:
0xfb: {  	s15 =	sadd.s32 $0x10, s15;
	(pc) =	sbr.rel @p1 .LBB2_14-.Ltmp5, $2  }
0xfc: {  	_ =	sdelay $0x2  }
0xfd: {  	s16 =	sadd.s32 $0xB8, s16;
	s6 =	sadd.s32 s6, s14  }
0xfe: {  	[hbm4b:s6+s4] =	stream.linear.scatter [tilespmem:s31], [sflag:$0x2], $0x80, $0x38;
	[tilespmem:$0x17000] =	vst v63  }
0xff: {  	s14 =	sadd.s32 $0x2800, s13;
	s15 =	simm.s32 $0x10  }
0x100: {  	s16 =	sadd.s32 $0xB8, s26;
	s31 =	smov.u32 s26;
	s6 =	sadd.s32 $0x0, s14  }
.LBB2_16:
0x101: {  	[hbm4b:s6+s4] =	stream.linear.scatter [tilespmem:s31], [sflag:$0x2], $0x80, $0x38;
	[tilespmem:$0x17000] =	vst v63  }
0x102: {  	s6 =	smov.u32 s15;
	s31 =	smov.u32 s16;
	p1 =	sne.s32 s15, $0x1F0  }
.Ltmp6:
0x103: {  	s15 =	sadd.s32 $0x10, s15;
	(pc) =	sbr.rel @p1 .LBB2_16-.Ltmp6, $2  }
0x104: {  	_ =	sdelay $0x2  }
0x105: {  	s16 =	sadd.s32 $0xB8, s16;
	s6 =	sadd.s32 s6, s14  }
0x106: {  	[hbm4b:s6+s4] =	stream.linear.scatter [tilespmem:s31], [sflag:$0x2], $0x80, $0x38;
	[tilespmem:$0x17000] =	vst v63  }
0x107: {  	s14 =	sadd.s32 $0x3000, s13;
	s15 =	simm.s32 $0x10  }
0x108: {  	s16 =	sadd.s32 $0xB8, s25;
	s31 =	smov.u32 s25;
	s6 =	sadd.s32 $0x0, s14  }
.LBB2_18:
0x109: {  	[hbm4b:s6+s4] =	stream.linear.scatter [tilespmem:s31], [sflag:$0x2], $0x80, $0x38;
	[tilespmem:$0x17000] =	vst v63  }
0x10a: {  	s6 =	smov.u32 s15;
	s31 =	smov.u32 s16;
	p1 =	sne.s32 s15, $0x1F0  }
.Ltmp7:
0x10b: {  	s15 =	sadd.s32 $0x10, s15;
	(pc) =	sbr.rel @p1 .LBB2_18-.Ltmp7, $2  }
0x10c: {  	_ =	sdelay $0x2  }
0x10d: {  	s16 =	sadd.s32 $0xB8, s16;
	s6 =	sadd.s32 s6, s14  }
0x10e: {  	[hbm4b:s6+s4] =	stream.linear.scatter [tilespmem:s31], [sflag:$0x2], $0x80, $0x38;
	[tilespmem:$0x17000] =	vst v63  }
0x10f: {  	s13 =	sadd.s32 $0x3800, s13;
	s14 =	simm.s32 $0x10  }
0x110: {  	s15 =	sadd.s32 $0xB8, s24;
	s16 =	smov.u32 s24;
	s6 =	sadd.s32 $0x0, s13  }
.LBB2_20:
0x111: {  	[hbm4b:s6+s4] =	stream.linear.scatter [tilespmem:s16], [sflag:$0x2], $0x80, $0x38;
	[tilespmem:$0x17000] =	vst v63  }
0x112: {  	s6 =	smov.u32 s14;
	s16 =	smov.u32 s15;
	p1 =	sne.s32 s14, $0x1F0  }
.Ltmp8:
0x113: {  	s14 =	sadd.s32 $0x10, s14;
	(pc) =	sbr.rel @p1 .LBB2_20-.Ltmp8, $2  }
0x114: {  	_ =	sdelay $0x2  }
0x115: {  	s15 =	sadd.s32 $0xB8, s15;
	s6 =	sadd.s32 s6, s13  }
0x116: {  	s12 =	sadd.s32 $0x1, s12  }
0x117: {  	p1 =	sne.s32 s12, $0x8  }
.Ltmp9:
0x118: {  	_ = 	snop;
	(pc) =	sbr.rel @p1 .LBB2_5-.Ltmp9, $4  }
0x119: {  	[hbm4b:s6+s4] =	stream.linear.scatter [tilespmem:s16], [sflag:$0x2], $0x80, $0x38;
	[tilespmem:$0x17000] =	vst v63  }
0x11a: {  	s1 =	sadd.s32 $0xFFFFFFF8, s1;
	s17 =	sadd.s32 $0xFFFFFFF8, s17  }
0x11b: {  	s30 =	sadd.s32 $0xFFFFFFF8, s30;
	s29 =	sadd.s32 $0xFFFFFFF8, s29;
	s28 =	sadd.s32 $0xFFFFFFF8, s28  }
0x11c: {  	s26 =	sadd.s32 $0xFFFFFFF8, s26;
	s25 =	sadd.s32 $0xFFFFFFF8, s25;
	s24 =	sadd.s32 $0xFFFFFFF8, s24  }
0x11d: {  	s23 =	sadd.s32 $0x1, s23  }
0x11e: {  	p1 =	sne.s32 s23, $0x20  }
.Ltmp10:
0x11f: {  	_ = 	snop;
	(pc) =	sbr.rel @p1 .LBB2_2-.Ltmp10, $2  }
0x120: {  	_ =	sdelay $0x2  }
0x121: {  	p0 =	por !p0, !p0  }
0x122: {  	_ =	swait.ge [sflag:s21], $0x8000  }
0x123: {  	[sflag:s21] =	ssyncset.done $0x0  }
0x124: {  	[sflag:s21] =	ssyncadd.s32 $0xFFFF8000  }
0x125: {  	_ =	swait.ge [sflag:s21], $0x8000  }
0x126: {  	[sflag:s21] =	ssyncset.done $0x0  }
0x127: {  	[sflag:s21] =	ssyncadd.s32 $0xFFFF8000  }
0x128: {  	_ =	swait.ge [sflag:s21], $0x8000  }
0x129: {  	[sflag:s21] =	ssyncset.done $0x0  }
0x12a: {  	[sflag:s21] =	ssyncadd.s32 $0xFFFF8000  }
0x12b: {  	_ =	swait.ge [sflag:s21], $0x8000  }
0x12c: {  	[sflag:s21] =	ssyncset.done $0x0  }
0x12d: {  	[sflag:s21] =	ssyncadd.s32 $0xFFFF8000  }
0x12e: {  	_ =	swait.ge [sflag:s21], $0x8000  }
0x12f: {  	[sflag:s21] =	ssyncset.done $0x0  }
0x130: {  	[sflag:s21] =	ssyncadd.s32 $0xFFFF8000  }
0x131: {  	_ =	swait.ge [sflag:s21], $0x8000  }
0x132: {  	[sflag:s21] =	ssyncset.done $0x0  }
0x133: {  	[sflag:s21] =	ssyncadd.s32 $0xFFFF8000  }
0x134: {  	_ =	swait.ge [sflag:s21], $0x8000  }
0x135: {  	[sflag:s21] =	ssyncset.done $0x0  }
0x136: {  	[sflag:s21] =	ssyncadd.s32 $0xFFFF8000  }
0x137: {  	_ =	swait.ge [sflag:s21], $0x8000  }
0x138: {  	s22 =	sadd.s32 $0x1, s22;
	s0 =	rddreg [dreg:$0x4]  }
0x139: {  	p0 =	sne.s32 s22, s0  }
.Ltmp11:
0x13a: {  	_ = 	snop;
	(pc) =	sbr.rel @p0 .LBB2_1-.Ltmp11, $3  }
0x13b: {  	_ =	sdelay $0x1  }
0x13c: {  	[sflag:s21] =	ssyncset.done $0x0  }
0x13d: {  	[sflag:s21] =	ssyncadd.s32 $0xFFFF8000  }
0x13e: {  	_ =	sfence.sel $0x180000  }
0x13f: {  	[bflag:$0x0] =	sbarrier.arrive $0xFFFF  }
0x140: {  	_ =	strace $0x90000047  }
0x141: {  	s0 =	stileid.u32;
	[bflag:$0x2] =	sbarrier.arrive $0xFFFF  }
0x142: {  	p0 =	sne.s32 s0, $0x0;
	s0 =	rddreg [dreg:$0x2]  }
0x143: {  	s0 =	sadd.s32 @!p0 $0x100000, s0  }
0x144: {  	[sflag:s0] =	ssyncadd.tile.s32 @!p0 $0x1;
	_ =	shalt  }
.Lfunc_end2:
_tile_overlayer_lowered:
.L_overlay_start_2:
0x145: {  	(tag) =	ssettag $0x2  }
0x146: {  	s0 =	rddreg [dreg:$0x0];
	s2 =	stileid.u32  }
0x147: {  	s1 =	rddreg [dreg:$0x1];
	p0 =	sne.s32 s2, $0x0  }
0x148: {  	s3 =	rddreg [dreg:$0x2];
	[bflag:$0x3] =	sbarrier.arrive $0xFFFF;
	s2 =	simm.s32 @!p0 $0x1C03  }
0x149: {  	[timem:s3], [sflag:s2] =	dma.local @!p0 [hbm:s0], s1  }
0x14a: {  	s0 =	simm.s32 @!p0 $0x3  }
0x14b: {  	_ =	swait.ge @!p0 [sflag:s0], s1  }
0x14c: {  	s1 =	ssub.s32 @!p0 $0x0, s1;
	[sflag:s0] =	ssyncset.done @!p0 $0x0  }
0x14d: {  	[sflag:s0] =	ssyncadd.s32 @!p0 s1  }
0x14e: {  	[bflag:$0x3] =	sbarrier.arrive $0xFFFF  }
0x14f: {  	_ =	shalt  }

</sc_bundles>
